<compile_context>
chip_gen: v7x
topology: tpu7x:2x2x1
jax: 0.10.2.dev20260603
libtpu: 0.0.44.dev20260713+nightly
codegen_flags: <defaults>
</compile_context>

<pallas_src>
import functools

import jax
import jax.numpy as jnp
from jax import lax
from jax.experimental import pallas as pl
from jax.experimental.pallas import tpu as pltpu
from jax.experimental.pallas import tpu_sc as plsc

NUM_BOXES = 100000
DIM = 64
ROWS = 2 * DIM
OUT_CHUNK = 4096


@functools.lru_cache(maxsize=None)
def _build(batch: int):
    info = plsc.get_sparse_core_info()
    nw = info.num_cores * info.num_subcores
    rows_per_w = ROWS // nw
    n_chunks = batch // OUT_CHUNK

    mesh = plsc.VectorSubcoreMesh(core_axis_name="c", subcore_axis_name="s")

    @functools.partial(
        pl.kernel,
        out_type=jax.ShapeDtypeStruct((ROWS, batch), jnp.float32),
        mesh=mesh,
        scratch_types=[
            pltpu.VMEM_SHARED((batch,), jnp.int32),
            pltpu.VMEM((batch,), jnp.int32),
            pltpu.VMEM((NUM_BOXES,), jnp.float32),
            pltpu.VMEM((OUT_CHUNK,), jnp.float32),
            pltpu.VMEM((OUT_CHUNK,), jnp.float32),
            pltpu.SemaphoreType.DMA,
            pltpu.SemaphoreType.DMA,
            pltpu.SemaphoreType.DMA,
            pltpu.SemaphoreType.DMA,
        ],
        compiler_params=pltpu.CompilerParams(
            use_tc_tiling_on_sc=True,
            needs_layout_passes=False,
            disable_bounds_checks=True,
        ),
    )
    def gather_kernel(
        tbl_hbm, idx_hbm, out_hbm, idx_s, idx_v, row_v, ob0_v, ob1_v,
        sem_i, sem_r, sem_o0, sem_o1
    ):
        obufs = (ob0_v, ob1_v)
        osems = (sem_o0, sem_o1)
        sid = lax.axis_index("s")
        wid = sid * info.num_cores + lax.axis_index("c")
        @pl.when(sid == 0)
        def _stage_idx():
            pltpu.sync_copy(idx_hbm, idx_s)
        plsc.subcore_barrier()
        idx_cp = pltpu.make_async_copy(idx_s, idx_v, sem_i)
        idx_cp.start()
        out_cps = []
        for rl in range(rows_per_w):
            r = wid * rows_per_w + rl
            row_cp = pltpu.make_async_copy(tbl_hbm.at[r], row_v, sem_r)
            row_cp.start()
            row_cp.wait()
            if rl == 0:
                idx_cp.wait()
            for ch in range(n_chunks):
                g = rl * n_chunks + ch
                if len(out_cps) >= 2:
                    out_cps[g - 2].wait()
                buf = obufs[g % 2]
                def _gather(i, _ch=ch, _buf=buf):
                    ids = idx_v[pl.ds(_ch * OUT_CHUNK + i, 16)]
                    _buf[pl.ds(i, 16)] = plsc.load_gather(row_v, [ids])
                plsc.parallel_loop(0, OUT_CHUNK, 16, unroll=8)(_gather)
                cp = pltpu.make_async_copy(
                    buf, out_hbm.at[r, pl.ds(ch * OUT_CHUNK, OUT_CHUNK)], osems[g % 2]
                )
                cp.start()
                out_cps.append(cp)
        for cp in out_cps[-2:]:
            cp.wait()

    return gather_kernel


def kernel(box_indices, boxes):
    num_models, num_boxes, two, dim = boxes.shape
    batch = box_indices.shape[0]
    tbl_t = jnp.transpose(boxes, (0, 2, 3, 1)).reshape(two * dim, num_boxes)
    out_t = _build(batch)(tbl_t, box_indices.astype(jnp.int32))
    return out_t.reshape(num_models, two, dim, batch).transpose(0, 3, 1, 2)

# --- scband reference (transcript-rebuilt; emitter-appended) ---
"""Pipeline reference for scband-unit-boxes-36507222016156 (READ-ONLY COPY).

The authoritative reference and input builder live on the scoring server;
editing this copy changes nothing except your own understanding.
"""

import jax, jax.numpy as jnp
import numpy as np

NUM_MODELS = 1
NUM_BOXES = 100000
DIM = 64
INIT_MIN_VOL = 0.01
BATCH = 16384


def setup_inputs(seed: int = 0) -> dict:
    key = jax.random.key(seed)
    k1, k2, k3 = jax.random.split(key, 3)
    # Faithful to UnitBoxes.__init__ with init_min_vol > 0:
    #   eps = init_min_vol ** (1/dim)
    #   z = rand_param(0, 1 - eps)        = 0 + U[0,1) * (1 - eps)
    #   Z = rand_param(z + eps, 1-(z+eps)) = (z + eps) + U[0,1) * (1 - (z + eps))
    eps = INIT_MIN_VOL ** (1.0 / DIM)
    u1 = jax.random.uniform(k1, (NUM_MODELS, NUM_BOXES, DIM), dtype=jnp.float32)
    u2 = jax.random.uniform(k2, (NUM_MODELS, NUM_BOXES, DIM), dtype=jnp.float32)
    z = u1 * (1.0 - eps)
    Z = (z + eps) + u2 * (1.0 - (z + eps))
    # ntorch.stack((z, Z), 'zZ') -> shape (model, box, zZ, dim)
    boxes = jnp.stack((z, Z), axis=2)
    box_indices = jax.random.randint(k3, (BATCH,), 0, NUM_BOXES, dtype=jnp.int64 if jax.config.jax_enable_x64 else jnp.int32)
    return {"box_indices": box_indices, "boxes": boxes}


def reference(box_indices, boxes):
    # forward: self.boxes[{'box': box_indices}] gathers along the 'box' axis (axis=1)
    # output shape: (model, id, zZ, dim) = (NUM_MODELS, BATCH, 2, DIM)
    return jnp.take(boxes, box_indices, axis=1)

if __name__ == "__main__":
    import jax
    _d = setup_inputs()
    print(jax.jit(kernel)(*tuple(_d.values())))

</pallas_src>

<mosaic_0001>
#map = affine_map<(d0, d1) -> (0, 0)>
#map1 = affine_map<(d0, d1) -> (0)>
module attributes {stable_mosaic.version = 14 : i64} {
  func.func @gather_kernel(%arg0: i32, %arg1: i32, %arg2: memref<128x100000xf32, #tpu.memory_space<hbm>>, %arg3: memref<16384xi32, #tpu.memory_space<hbm>>, %arg4: memref<128x16384xf32, #tpu.memory_space<hbm>>, %arg5: memref<16384xi32, #tpu.memory_space<vmem_shared>>, %arg6: memref<16384xi32, #tpu.memory_space<vmem>>, %arg7: memref<100000xf32, #tpu.memory_space<vmem>>, %arg8: memref<4096xf32, #tpu.memory_space<vmem>>, %arg9: memref<4096xf32, #tpu.memory_space<vmem>>, %arg10: memref<!tpu.dma_semaphore, #tpu.memory_space<semaphore_mem>>, %arg11: memref<!tpu.dma_semaphore, #tpu.memory_space<semaphore_mem>>, %arg12: memref<!tpu.dma_semaphore, #tpu.memory_space<semaphore_mem>>, %arg13: memref<!tpu.dma_semaphore, #tpu.memory_space<semaphore_mem>>) attributes {dimension_semantics = [#tpu.dimension_semantics<core_parallel>, #tpu.dimension_semantics<subcore_parallel>], iteration_bounds = array<i64: 2, 16>, scalar_prefetch = 0 : i64, scratch_operands = 9 : i64, tpu.core_type = #tpu.core_type<sc_vector_subcore>, window_params = [{transform_indices = #map}, {transform_indices = #map1}, {transform_indices = #map}]} {
    %mul3A = arith.constant 2 : i32
    %mul3A_0 = arith.muli %arg1, %mul3A : i32
    %add3A = arith.addi %mul3A_0, %arg0 : i32
    %eq3A = arith.constant 0 : i32
    %eq3A_1 = arith.cmpi eq, %arg1, %eq3A : i32
    %convert_element_type3A = arith.extui %eq3A_1 : i1 to i32
    %cond3A = arith.constant 0 : i32
    %cond3A_2 = arith.cmpi ne, %convert_element_type3A, %cond3A : i32
    scf.if %cond3A_2 {
      "tpu.region"() ({
        %run_scoped3A = tpu.sem_alloc : memref<!tpu.dma_semaphore, #tpu.memory_space<semaphore_mem>>
        tpu.enqueue_dma source(%arg3 : memref<16384xi32, #tpu.memory_space<hbm>>) target(%arg5 : memref<16384xi32, #tpu.memory_space<vmem_shared>>) target_semaphore(%run_scoped3A : memref<!tpu.dma_semaphore, #tpu.memory_space<semaphore_mem>>)
        tpu.wait_dma2 semaphore(%run_scoped3A : memref<!tpu.dma_semaphore, #tpu.memory_space<semaphore_mem>>) src(%arg3 : memref<16384xi32, #tpu.memory_space<hbm>>) dst(%arg5 : memref<16384xi32, #tpu.memory_space<vmem_shared>>)
        tpu.yield
      }) : () -> ()
    } else {
    }
    %barrier3A = arith.constant 0 : index
    tpu.barrier barrier_id(%barrier3A)
    tpu.enqueue_dma source(%arg5 : memref<16384xi32, #tpu.memory_space<vmem_shared>>) target(%arg6 : memref<16384xi32, #tpu.memory_space<vmem>>) target_semaphore(%arg10 : memref<!tpu.dma_semaphore, #tpu.memory_space<semaphore_mem>>)
    %mul3A_3 = arith.constant 4 : i32
    %mul3A_4 = arith.muli %add3A, %mul3A_3 : i32
    %add3A_5 = arith.constant 0 : i32
    %add3A_6 = arith.addi %mul3A_4, %add3A_5 : i32
    %dma_start3A = arith.constant 0 : i32
    %dma_start3A_7 = tpu.memref_slice %arg2[%add3A_6, %dma_start3A] : memref<128x100000xf32, #tpu.memory_space<hbm>> -> memref<1x100000xf32, #tpu.memory_space<hbm>>
    %dma_start3A_8 = tpu.memref_squeeze %dma_start3A_7 : memref<1x100000xf32, #tpu.memory_space<hbm>> -> memref<100000xf32, #tpu.memory_space<hbm>>
    %dma_start3A_9 = arith.constant 0 : i32
    %dma_start3A_10 = tpu.memref_slice %arg2[%add3A_6, %dma_start3A_9] : memref<128x100000xf32, #tpu.memory_space<hbm>> -> memref<1x100000xf32, #tpu.memory_space<hbm>>
    %dma_start3A_11 = tpu.memref_squeeze %dma_start3A_10 : memref<1x100000xf32, #tpu.memory_space<hbm>> -> memref<100000xf32, #tpu.memory_space<hbm>>
    tpu.enqueue_dma source(%dma_start3A_11 : memref<100000xf32, #tpu.memory_space<hbm>>) target(%arg7 : memref<100000xf32, #tpu.memory_space<vmem>>) target_semaphore(%arg11 : memref<!tpu.dma_semaphore, #tpu.memory_space<semaphore_mem>>)
    %dma_wait3A = arith.constant 0 : i32
    %dma_wait3A_12 = tpu.memref_slice %arg2[%add3A_6, %dma_wait3A] : memref<128x100000xf32, #tpu.memory_space<hbm>> -> memref<1x100000xf32, #tpu.memory_space<hbm>>
    %dma_wait3A_13 = tpu.memref_squeeze %dma_wait3A_12 : memref<1x100000xf32, #tpu.memory_space<hbm>> -> memref<100000xf32, #tpu.memory_space<hbm>>
    %dma_wait3A_14 = arith.constant 0 : i32
    %dma_wait3A_15 = tpu.memref_slice %arg2[%add3A_6, %dma_wait3A_14] : memref<128x100000xf32, #tpu.memory_space<hbm>> -> memref<1x100000xf32, #tpu.memory_space<hbm>>
    %dma_wait3A_16 = tpu.memref_squeeze %dma_wait3A_15 : memref<1x100000xf32, #tpu.memory_space<hbm>> -> memref<100000xf32, #tpu.memory_space<hbm>>
    tpu.wait_dma2 semaphore(%arg11 : memref<!tpu.dma_semaphore, #tpu.memory_space<semaphore_mem>>) src(%dma_wait3A_16 : memref<100000xf32, #tpu.memory_space<hbm>>) dst(%arg7 : memref<100000xf32, #tpu.memory_space<vmem>>)
    tpu.wait_dma2 semaphore(%arg10 : memref<!tpu.dma_semaphore, #tpu.memory_space<semaphore_mem>>) src(%arg5 : memref<16384xi32, #tpu.memory_space<vmem_shared>>) dst(%arg6 : memref<16384xi32, #tpu.memory_space<vmem>>)
    %parallel_loop3A = arith.constant 0 : i32
    %parallel_loop3A_17 = arith.constant 4096 : i32
    %parallel_loop3A_18 = arith.constant 16 : i32
    scf.for %parallel_loop3A_304 = %parallel_loop3A to %parallel_loop3A_17 step %parallel_loop3A_18  : i32 {
      %parallel_loop3A_305 = arith.constant 0 : i32
      %parallel_loop3A_306 = arith.addi %parallel_loop3A_305, %parallel_loop3A_304 : i32
      %parallel_loop3A_307 = arith.index_cast %parallel_loop3A_306 : i32 to index
      %parallel_loop3A_308 = tpu.vector_load %arg6[%parallel_loop3A_307] {strides = array<i32>} : memref<16384xi32, #tpu.memory_space<vmem>>, vector<16xi32>,
      %parallel_loop3A_309 = tpu.vector_load_idx %arg7[%parallel_loop3A_308] : memref<100000xf32, #tpu.memory_space<vmem>>[vector<16xi32>], vector<16xf32>,
      %parallel_loop3A_310 = arith.index_cast %parallel_loop3A_304 : i32 to index
      %parallel_loop3A_311 = tpu.vector_load %arg8[%parallel_loop3A_310] {strides = array<i32>} : memref<4096xf32, #tpu.memory_space<vmem>>, vector<16xf32>,
      tpu.vector_store %arg8[%parallel_loop3A_310], %parallel_loop3A_309 {strides = array<i32>} : memref<4096xf32, #tpu.memory_space<vmem>>, vector<16xf32>,
    } {sc.loop_unroll_factor = 8 : i64, sc.parallel_access}
    %dma_start3A_19 = arith.constant 0 : i32
    %dma_start3A_20 = tpu.memref_slice %arg4[%add3A_6, %dma_start3A_19] : memref<128x16384xf32, #tpu.memory_space<hbm>> -> memref<1x4096xf32, #tpu.memory_space<hbm>>
    %dma_start3A_21 = tpu.memref_squeeze %dma_start3A_20 : memref<1x4096xf32, #tpu.memory_space<hbm>> -> memref<4096xf32, #tpu.memory_space<hbm>>
    %dma_start3A_22 = arith.constant 0 : i32
    %dma_start3A_23 = tpu.memref_slice %arg4[%add3A_6, %dma_start3A_22] : memref<128x16384xf32, #tpu.memory_space<hbm>> -> memref<1x4096xf32, #tpu.memory_space<hbm>>
    %dma_start3A_24 = tpu.memref_squeeze %dma_start3A_23 : memref<1x4096xf32, #tpu.memory_space<hbm>> -> memref<4096xf32, #tpu.memory_space<hbm>>
    tpu.enqueue_dma source(%arg8 : memref<4096xf32, #tpu.memory_space<vmem>>) target(%dma_start3A_24 : memref<4096xf32, #tpu.memory_space<hbm>>) target_semaphore(%arg12 : memref<!tpu.dma_semaphore, #tpu.memory_space<semaphore_mem>>)
    %parallel_loop3A_25 = arith.constant 0 : i32
    %parallel_loop3A_26 = arith.constant 4096 : i32
    %parallel_loop3A_27 = arith.constant 16 : i32
    scf.for %parallel_loop3A_304 = %parallel_loop3A_25 to %parallel_loop3A_26 step %parallel_loop3A_27  : i32 {
      %parallel_loop3A_305 = arith.constant 4096 : i32
      %parallel_loop3A_306 = arith.addi %parallel_loop3A_305, %parallel_loop3A_304 : i32
      %parallel_loop3A_307 = arith.index_cast %parallel_loop3A_306 : i32 to index
      %parallel_loop3A_308 = tpu.vector_load %arg6[%parallel_loop3A_307] {strides = array<i32>} : memref<16384xi32, #tpu.memory_space<vmem>>, vector<16xi32>,
      %parallel_loop3A_309 = tpu.vector_load_idx %arg7[%parallel_loop3A_308] : memref<100000xf32, #tpu.memory_space<vmem>>[vector<16xi32>], vector<16xf32>,
      %parallel_loop3A_310 = arith.index_cast %parallel_loop3A_304 : i32 to index
      %parallel_loop3A_311 = tpu.vector_load %arg9[%parallel_loop3A_310] {strides = array<i32>} : memref<4096xf32, #tpu.memory_space<vmem>>, vector<16xf32>,
      tpu.vector_store %arg9[%parallel_loop3A_310], %parallel_loop3A_309 {strides = array<i32>} : memref<4096xf32, #tpu.memory_space<vmem>>, vector<16xf32>,
    } {sc.loop_unroll_factor = 8 : i64, sc.parallel_access}
    %dma_start3A_28 = arith.constant 4096 : i32
    %dma_start3A_29 = tpu.memref_slice %arg4[%add3A_6, %dma_start3A_28] : memref<128x16384xf32, #tpu.memory_space<hbm>> -> memref<1x4096xf32, #tpu.memory_space<hbm>>
    %dma_start3A_30 = tpu.memref_squeeze %dma_start3A_29 : memref<1x4096xf32, #tpu.memory_space<hbm>> -> memref<4096xf32, #tpu.memory_space<hbm>>
    %dma_start3A_31 = arith.constant 4096 : i32
    %dma_start3A_32 = tpu.memref_slice %arg4[%add3A_6, %dma_start3A_31] : memref<128x16384xf32, #tpu.memory_space<hbm>> -> memref<1x4096xf32, #tpu.memory_space<hbm>>
    %dma_start3A_33 = tpu.memref_squeeze %dma_start3A_32 : memref<1x4096xf32, #tpu.memory_space<hbm>> -> memref<4096xf32, #tpu.memory_space<hbm>>
    tpu.enqueue_dma source(%arg9 : memref<4096xf32, #tpu.memory_space<vmem>>) target(%dma_start3A_33 : memref<4096xf32, #tpu.memory_space<hbm>>) target_semaphore(%arg13 : memref<!tpu.dma_semaphore, #tpu.memory_space<semaphore_mem>>)
    %dma_wait3A_34 = arith.constant 0 : i32
    %dma_wait3A_35 = tpu.memref_slice %arg4[%add3A_6, %dma_wait3A_34] : memref<128x16384xf32, #tpu.memory_space<hbm>> -> memref<1x4096xf32, #tpu.memory_space<hbm>>
    %dma_wait3A_36 = tpu.memref_squeeze %dma_wait3A_35 : memref<1x4096xf32, #tpu.memory_space<hbm>> -> memref<4096xf32, #tpu.memory_space<hbm>>
    %dma_wait3A_37 = arith.constant 0 : i32
    %dma_wait3A_38 = tpu.memref_slice %arg4[%add3A_6, %dma_wait3A_37] : memref<128x16384xf32, #tpu.memory_space<hbm>> -> memref<1x4096xf32, #tpu.memory_space<hbm>>
    %dma_wait3A_39 = tpu.memref_squeeze %dma_wait3A_38 : memref<1x4096xf32, #tpu.memory_space<hbm>> -> memref<4096xf32, #tpu.memory_space<hbm>>
    tpu.wait_dma2 semaphore(%arg12 : memref<!tpu.dma_semaphore, #tpu.memory_space<semaphore_mem>>) src(%arg8 : memref<4096xf32, #tpu.memory_space<vmem>>) dst(%dma_wait3A_39 : memref<4096xf32, #tpu.memory_space<hbm>>)
    %parallel_loop3A_40 = arith.constant 0 : i32
    %parallel_loop3A_41 = arith.constant 4096 : i32
    %parallel_loop3A_42 = arith.constant 16 : i32
    scf.for %parallel_loop3A_304 = %parallel_loop3A_40 to %parallel_loop3A_41 step %parallel_loop3A_42  : i32 {
      %parallel_loop3A_305 = arith.constant 8192 : i32
      %parallel_loop3A_306 = arith.addi %parallel_loop3A_305, %parallel_loop3A_304 : i32
      %parallel_loop3A_307 = arith.index_cast %parallel_loop3A_306 : i32 to index
      %parallel_loop3A_308 = tpu.vector_load %arg6[%parallel_loop3A_307] {strides = array<i32>} : memref<16384xi32, #tpu.memory_space<vmem>>, vector<16xi32>,
      %parallel_loop3A_309 = tpu.vector_load_idx %arg7[%parallel_loop3A_308] : memref<100000xf32, #tpu.memory_space<vmem>>[vector<16xi32>], vector<16xf32>,
      %parallel_loop3A_310 = arith.index_cast %parallel_loop3A_304 : i32 to index
      %parallel_loop3A_311 = tpu.vector_load %arg8[%parallel_loop3A_310] {strides = array<i32>} : memref<4096xf32, #tpu.memory_space<vmem>>, vector<16xf32>,
      tpu.vector_store %arg8[%parallel_loop3A_310], %parallel_loop3A_309 {strides = array<i32>} : memref<4096xf32, #tpu.memory_space<vmem>>, vector<16xf32>,
    } {sc.loop_unroll_factor = 8 : i64, sc.parallel_access}
    %dma_start3A_43 = arith.constant 8192 : i32
    %dma_start3A_44 = tpu.memref_slice %arg4[%add3A_6, %dma_start3A_43] : memref<128x16384xf32, #tpu.memory_space<hbm>> -> memref<1x4096xf32, #tpu.memory_space<hbm>>
    %dma_start3A_45 = tpu.memref_squeeze %dma_start3A_44 : memref<1x4096xf32, #tpu.memory_space<hbm>> -> memref<4096xf32, #tpu.memory_space<hbm>>
    %dma_start3A_46 = arith.constant 8192 : i32
    %dma_start3A_47 = tpu.memref_slice %arg4[%add3A_6, %dma_start3A_46] : memref<128x16384xf32, #tpu.memory_space<hbm>> -> memref<1x4096xf32, #tpu.memory_space<hbm>>
    %dma_start3A_48 = tpu.memref_squeeze %dma_start3A_47 : memref<1x4096xf32, #tpu.memory_space<hbm>> -> memref<4096xf32, #tpu.memory_space<hbm>>
    tpu.enqueue_dma source(%arg8 : memref<4096xf32, #tpu.memory_space<vmem>>) target(%dma_start3A_48 : memref<4096xf32, #tpu.memory_space<hbm>>) target_semaphore(%arg12 : memref<!tpu.dma_semaphore, #tpu.memory_space<semaphore_mem>>)
    %dma_wait3A_49 = arith.constant 4096 : i32
    %dma_wait3A_50 = tpu.memref_slice %arg4[%add3A_6, %dma_wait3A_49] : memref<128x16384xf32, #tpu.memory_space<hbm>> -> memref<1x4096xf32, #tpu.memory_space<hbm>>
    %dma_wait3A_51 = tpu.memref_squeeze %dma_wait3A_50 : memref<1x4096xf32, #tpu.memory_space<hbm>> -> memref<4096xf32, #tpu.memory_space<hbm>>
    %dma_wait3A_52 = arith.constant 4096 : i32
    %dma_wait3A_53 = tpu.memref_slice %arg4[%add3A_6, %dma_wait3A_52] : memref<128x16384xf32, #tpu.memory_space<hbm>> -> memref<1x4096xf32, #tpu.memory_space<hbm>>
    %dma_wait3A_54 = tpu.memref_squeeze %dma_wait3A_53 : memref<1x4096xf32, #tpu.memory_space<hbm>> -> memref<4096xf32, #tpu.memory_space<hbm>>
    tpu.wait_dma2 semaphore(%arg13 : memref<!tpu.dma_semaphore, #tpu.memory_space<semaphore_mem>>) src(%arg9 : memref<4096xf32, #tpu.memory_space<vmem>>) dst(%dma_wait3A_54 : memref<4096xf32, #tpu.memory_space<hbm>>)
    %parallel_loop3A_55 = arith.constant 0 : i32
    %parallel_loop3A_56 = arith.constant 4096 : i32
    %parallel_loop3A_57 = arith.constant 16 : i32
    scf.for %parallel_loop3A_304 = %parallel_loop3A_55 to %parallel_loop3A_56 step %parallel_loop3A_57  : i32 {
      %parallel_loop3A_305 = arith.constant 12288 : i32
      %parallel_loop3A_306 = arith.addi %parallel_loop3A_305, %parallel_loop3A_304 : i32
      %parallel_loop3A_307 = arith.index_cast %parallel_loop3A_306 : i32 to index
      %parallel_loop3A_308 = tpu.vector_load %arg6[%parallel_loop3A_307] {strides = array<i32>} : memref<16384xi32, #tpu.memory_space<vmem>>, vector<16xi32>,
      %parallel_loop3A_309 = tpu.vector_load_idx %arg7[%parallel_loop3A_308] : memref<100000xf32, #tpu.memory_space<vmem>>[vector<16xi32>], vector<16xf32>,
      %parallel_loop3A_310 = arith.index_cast %parallel_loop3A_304 : i32 to index
      %parallel_loop3A_311 = tpu.vector_load %arg9[%parallel_loop3A_310] {strides = array<i32>} : memref<4096xf32, #tpu.memory_space<vmem>>, vector<16xf32>,
      tpu.vector_store %arg9[%parallel_loop3A_310], %parallel_loop3A_309 {strides = array<i32>} : memref<4096xf32, #tpu.memory_space<vmem>>, vector<16xf32>,
    } {sc.loop_unroll_factor = 8 : i64, sc.parallel_access}
    %dma_start3A_58 = arith.constant 12288 : i32
    %dma_start3A_59 = tpu.memref_slice %arg4[%add3A_6, %dma_start3A_58] : memref<128x16384xf32, #tpu.memory_space<hbm>> -> memref<1x4096xf32, #tpu.memory_space<hbm>>
    %dma_start3A_60 = tpu.memref_squeeze %dma_start3A_59 : memref<1x4096xf32, #tpu.memory_space<hbm>> -> memref<4096xf32, #tpu.memory_space<hbm>>
    %dma_start3A_61 = arith.constant 12288 : i32
    %dma_start3A_62 = tpu.memref_slice %arg4[%add3A_6, %dma_start3A_61] : memref<128x16384xf32, #tpu.memory_space<hbm>> -> memref<1x4096xf32, #tpu.memory_space<hbm>>
    %dma_start3A_63 = tpu.memref_squeeze %dma_start3A_62 : memref<1x4096xf32, #tpu.memory_space<hbm>> -> memref<4096xf32, #tpu.memory_space<hbm>>
    tpu.enqueue_dma source(%arg9 : memref<4096xf32, #tpu.memory_space<vmem>>) target(%dma_start3A_63 : memref<4096xf32, #tpu.memory_space<hbm>>) target_semaphore(%arg13 : memref<!tpu.dma_semaphore, #tpu.memory_space<semaphore_mem>>)
    %mul3A_64 = arith.constant 4 : i32
    %mul3A_65 = arith.muli %add3A, %mul3A_64 : i32
    %add3A_66 = arith.constant 1 : i32
    %add3A_67 = arith.addi %mul3A_65, %add3A_66 : i32
    %dma_start3A_68 = arith.constant 0 : i32
    %dma_start3A_69 = tpu.memref_slice %arg2[%add3A_67, %dma_start3A_68] : memref<128x100000xf32, #tpu.memory_space<hbm>> -> memref<1x100000xf32, #tpu.memory_space<hbm>>
    %dma_start3A_70 = tpu.memref_squeeze %dma_start3A_69 : memref<1x100000xf32, #tpu.memory_space<hbm>> -> memref<100000xf32, #tpu.memory_space<hbm>>
    %dma_start3A_71 = arith.constant 0 : i32
    %dma_start3A_72 = tpu.memref_slice %arg2[%add3A_67, %dma_start3A_71] : memref<128x100000xf32, #tpu.memory_space<hbm>> -> memref<1x100000xf32, #tpu.memory_space<hbm>>
    %dma_start3A_73 = tpu.memref_squeeze %dma_start3A_72 : memref<1x100000xf32, #tpu.memory_space<hbm>> -> memref<100000xf32, #tpu.memory_space<hbm>>
    tpu.enqueue_dma source(%dma_start3A_73 : memref<100000xf32, #tpu.memory_space<hbm>>) target(%arg7 : memref<100000xf32, #tpu.memory_space<vmem>>) target_semaphore(%arg11 : memref<!tpu.dma_semaphore, #tpu.memory_space<semaphore_mem>>)
    %dma_wait3A_74 = arith.constant 0 : i32
    %dma_wait3A_75 = tpu.memref_slice %arg2[%add3A_67, %dma_wait3A_74] : memref<128x100000xf32, #tpu.memory_space<hbm>> -> memref<1x100000xf32, #tpu.memory_space<hbm>>
    %dma_wait3A_76 = tpu.memref_squeeze %dma_wait3A_75 : memref<1x100000xf32, #tpu.memory_space<hbm>> -> memref<100000xf32, #tpu.memory_space<hbm>>
    %dma_wait3A_77 = arith.constant 0 : i32
    %dma_wait3A_78 = tpu.memref_slice %arg2[%add3A_67, %dma_wait3A_77] : memref<128x100000xf32, #tpu.memory_space<hbm>> -> memref<1x100000xf32, #tpu.memory_space<hbm>>
    %dma_wait3A_79 = tpu.memref_squeeze %dma_wait3A_78 : memref<1x100000xf32, #tpu.memory_space<hbm>> -> memref<100000xf32, #tpu.memory_space<hbm>>
    tpu.wait_dma2 semaphore(%arg11 : memref<!tpu.dma_semaphore, #tpu.memory_space<semaphore_mem>>) src(%dma_wait3A_79 : memref<100000xf32, #tpu.memory_space<hbm>>) dst(%arg7 : memref<100000xf32, #tpu.memory_space<vmem>>)
    %dma_wait3A_80 = arith.constant 8192 : i32
    %dma_wait3A_81 = tpu.memref_slice %arg4[%add3A_6, %dma_wait3A_80] : memref<128x16384xf32, #tpu.memory_space<hbm>> -> memref<1x4096xf32, #tpu.memory_space<hbm>>
    %dma_wait3A_82 = tpu.memref_squeeze %dma_wait3A_81 : memref<1x4096xf32, #tpu.memory_space<hbm>> -> memref<4096xf32, #tpu.memory_space<hbm>>
    %dma_wait3A_83 = arith.constant 8192 : i32
    %dma_wait3A_84 = tpu.memref_slice %arg4[%add3A_6, %dma_wait3A_83] : memref<128x16384xf32, #tpu.memory_space<hbm>> -> memref<1x4096xf32, #tpu.memory_space<hbm>>
    %dma_wait3A_85 = tpu.memref_squeeze %dma_wait3A_84 : memref<1x4096xf32, #tpu.memory_space<hbm>> -> memref<4096xf32, #tpu.memory_space<hbm>>
    tpu.wait_dma2 semaphore(%arg12 : memref<!tpu.dma_semaphore, #tpu.memory_space<semaphore_mem>>) src(%arg8 : memref<4096xf32, #tpu.memory_space<vmem>>) dst(%dma_wait3A_85 : memref<4096xf32, #tpu.memory_space<hbm>>)
    %parallel_loop3A_86 = arith.constant 0 : i32
    %parallel_loop3A_87 = arith.constant 4096 : i32
    %parallel_loop3A_88 = arith.constant 16 : i32
    scf.for %parallel_loop3A_304 = %parallel_loop3A_86 to %parallel_loop3A_87 step %parallel_loop3A_88  : i32 {
      %parallel_loop3A_305 = arith.constant 0 : i32
      %parallel_loop3A_306 = arith.addi %parallel_loop3A_305, %parallel_loop3A_304 : i32
      %parallel_loop3A_307 = arith.index_cast %parallel_loop3A_306 : i32 to index
      %parallel_loop3A_308 = tpu.vector_load %arg6[%parallel_loop3A_307] {strides = array<i32>} : memref<16384xi32, #tpu.memory_space<vmem>>, vector<16xi32>,
      %parallel_loop3A_309 = tpu.vector_load_idx %arg7[%parallel_loop3A_308] : memref<100000xf32, #tpu.memory_space<vmem>>[vector<16xi32>], vector<16xf32>,
      %parallel_loop3A_310 = arith.index_cast %parallel_loop3A_304 : i32 to index
      %parallel_loop3A_311 = tpu.vector_load %arg8[%parallel_loop3A_310] {strides = array<i32>} : memref<4096xf32, #tpu.memory_space<vmem>>, vector<16xf32>,
      tpu.vector_store %arg8[%parallel_loop3A_310], %parallel_loop3A_309 {strides = array<i32>} : memref<4096xf32, #tpu.memory_space<vmem>>, vector<16xf32>,
    } {sc.loop_unroll_factor = 8 : i64, sc.parallel_access}
    %dma_start3A_89 = arith.constant 0 : i32
    %dma_start3A_90 = tpu.memref_slice %arg4[%add3A_67, %dma_start3A_89] : memref<128x16384xf32, #tpu.memory_space<hbm>> -> memref<1x4096xf32, #tpu.memory_space<hbm>>
    %dma_start3A_91 = tpu.memref_squeeze %dma_start3A_90 : memref<1x4096xf32, #tpu.memory_space<hbm>> -> memref<4096xf32, #tpu.memory_space<hbm>>
    %dma_start3A_92 = arith.constant 0 : i32
    %dma_start3A_93 = tpu.memref_slice %arg4[%add3A_67, %dma_start3A_92] : memref<128x16384xf32, #tpu.memory_space<hbm>> -> memref<1x4096xf32, #tpu.memory_space<hbm>>
    %dma_start3A_94 = tpu.memref_squeeze %dma_start3A_93 : memref<1x4096xf32, #tpu.memory_space<hbm>> -> memref<4096xf32, #tpu.memory_space<hbm>>
    tpu.enqueue_dma source(%arg8 : memref<4096xf32, #tpu.memory_space<vmem>>) target(%dma_start3A_94 : memref<4096xf32, #tpu.memory_space<hbm>>) target_semaphore(%arg12 : memref<!tpu.dma_semaphore, #tpu.memory_space<semaphore_mem>>)
    %dma_wait3A_95 = arith.constant 12288 : i32
    %dma_wait3A_96 = tpu.memref_slice %arg4[%add3A_6, %dma_wait3A_95] : memref<128x16384xf32, #tpu.memory_space<hbm>> -> memref<1x4096xf32, #tpu.memory_space<hbm>>
    %dma_wait3A_97 = tpu.memref_squeeze %dma_wait3A_96 : memref<1x4096xf32, #tpu.memory_space<hbm>> -> memref<4096xf32, #tpu.memory_space<hbm>>
    %dma_wait3A_98 = arith.constant 12288 : i32
    %dma_wait3A_99 = tpu.memref_slice %arg4[%add3A_6, %dma_wait3A_98] : memref<128x16384xf32, #tpu.memory_space<hbm>> -> memref<1x4096xf32, #tpu.memory_space<hbm>>
    %dma_wait3A_100 = tpu.memref_squeeze %dma_wait3A_99 : memref<1x4096xf32, #tpu.memory_space<hbm>> -> memref<4096xf32, #tpu.memory_space<hbm>>
    tpu.wait_dma2 semaphore(%arg13 : memref<!tpu.dma_semaphore, #tpu.memory_space<semaphore_mem>>) src(%arg9 : memref<4096xf32, #tpu.memory_space<vmem>>) dst(%dma_wait3A_100 : memref<4096xf32, #tpu.memory_space<hbm>>)
    %parallel_loop3A_101 = arith.constant 0 : i32
    %parallel_loop3A_102 = arith.constant 4096 : i32
    %parallel_loop3A_103 = arith.constant 16 : i32
    scf.for %parallel_loop3A_304 = %parallel_loop3A_101 to %parallel_loop3A_102 step %parallel_loop3A_103  : i32 {
      %parallel_loop3A_305 = arith.constant 4096 : i32
      %parallel_loop3A_306 = arith.addi %parallel_loop3A_305, %parallel_loop3A_304 : i32
      %parallel_loop3A_307 = arith.index_cast %parallel_loop3A_306 : i32 to index
      %parallel_loop3A_308 = tpu.vector_load %arg6[%parallel_loop3A_307] {strides = array<i32>} : memref<16384xi32, #tpu.memory_space<vmem>>, vector<16xi32>,
      %parallel_loop3A_309 = tpu.vector_load_idx %arg7[%parallel_loop3A_308] : memref<100000xf32, #tpu.memory_space<vmem>>[vector<16xi32>], vector<16xf32>,
      %parallel_loop3A_310 = arith.index_cast %parallel_loop3A_304 : i32 to index
      %parallel_loop3A_311 = tpu.vector_load %arg9[%parallel_loop3A_310] {strides = array<i32>} : memref<4096xf32, #tpu.memory_space<vmem>>, vector<16xf32>,
      tpu.vector_store %arg9[%parallel_loop3A_310], %parallel_loop3A_309 {strides = array<i32>} : memref<4096xf32, #tpu.memory_space<vmem>>, vector<16xf32>,
    } {sc.loop_unroll_factor = 8 : i64, sc.parallel_access}
    %dma_start3A_104 = arith.constant 4096 : i32
    %dma_start3A_105 = tpu.memref_slice %arg4[%add3A_67, %dma_start3A_104] : memref<128x16384xf32, #tpu.memory_space<hbm>> -> memref<1x4096xf32, #tpu.memory_space<hbm>>
    %dma_start3A_106 = tpu.memref_squeeze %dma_start3A_105 : memref<1x4096xf32, #tpu.memory_space<hbm>> -> memref<4096xf32, #tpu.memory_space<hbm>>
    %dma_start3A_107 = arith.constant 4096 : i32
    %dma_start3A_108 = tpu.memref_slice %arg4[%add3A_67, %dma_start3A_107] : memref<128x16384xf32, #tpu.memory_space<hbm>> -> memref<1x4096xf32, #tpu.memory_space<hbm>>
    %dma_start3A_109 = tpu.memref_squeeze %dma_start3A_108 : memref<1x4096xf32, #tpu.memory_space<hbm>> -> memref<4096xf32, #tpu.memory_space<hbm>>
    tpu.enqueue_dma source(%arg9 : memref<4096xf32, #tpu.memory_space<vmem>>) target(%dma_start3A_109 : memref<4096xf32, #tpu.memory_space<hbm>>) target_semaphore(%arg13 : memref<!tpu.dma_semaphore, #tpu.memory_space<semaphore_mem>>)
    %dma_wait3A_110 = arith.constant 0 : i32
    %dma_wait3A_111 = tpu.memref_slice %arg4[%add3A_67, %dma_wait3A_110] : memref<128x16384xf32, #tpu.memory_space<hbm>> -> memref<1x4096xf32, #tpu.memory_space<hbm>>
    %dma_wait3A_112 = tpu.memref_squeeze %dma_wait3A_111 : memref<1x4096xf32, #tpu.memory_space<hbm>> -> memref<4096xf32, #tpu.memory_space<hbm>>
    %dma_wait3A_113 = arith.constant 0 : i32
    %dma_wait3A_114 = tpu.memref_slice %arg4[%add3A_67, %dma_wait3A_113] : memref<128x16384xf32, #tpu.memory_space<hbm>> -> memref<1x4096xf32, #tpu.memory_space<hbm>>
    %dma_wait3A_115 = tpu.memref_squeeze %dma_wait3A_114 : memref<1x4096xf32, #tpu.memory_space<hbm>> -> memref<4096xf32, #tpu.memory_space<hbm>>
    tpu.wait_dma2 semaphore(%arg12 : memref<!tpu.dma_semaphore, #tpu.memory_space<semaphore_mem>>) src(%arg8 : memref<4096xf32, #tpu.memory_space<vmem>>) dst(%dma_wait3A_115 : memref<4096xf32, #tpu.memory_space<hbm>>)
    %parallel_loop3A_116 = arith.constant 0 : i32
    %parallel_loop3A_117 = arith.constant 4096 : i32
    %parallel_loop3A_118 = arith.constant 16 : i32
    scf.for %parallel_loop3A_304 = %parallel_loop3A_116 to %parallel_loop3A_117 step %parallel_loop3A_118  : i32 {
      %parallel_loop3A_305 = arith.constant 8192 : i32
      %parallel_loop3A_306 = arith.addi %parallel_loop3A_305, %parallel_loop3A_304 : i32
      %parallel_loop3A_307 = arith.index_cast %parallel_loop3A_306 : i32 to index
      %parallel_loop3A_308 = tpu.vector_load %arg6[%parallel_loop3A_307] {strides = array<i32>} : memref<16384xi32, #tpu.memory_space<vmem>>, vector<16xi32>,
      %parallel_loop3A_309 = tpu.vector_load_idx %arg7[%parallel_loop3A_308] : memref<100000xf32, #tpu.memory_space<vmem>>[vector<16xi32>], vector<16xf32>,
      %parallel_loop3A_310 = arith.index_cast %parallel_loop3A_304 : i32 to index
      %parallel_loop3A_311 = tpu.vector_load %arg8[%parallel_loop3A_310] {strides = array<i32>} : memref<4096xf32, #tpu.memory_space<vmem>>, vector<16xf32>,
      tpu.vector_store %arg8[%parallel_loop3A_310], %parallel_loop3A_309 {strides = array<i32>} : memref<4096xf32, #tpu.memory_space<vmem>>, vector<16xf32>,
    } {sc.loop_unroll_factor = 8 : i64, sc.parallel_access}
    %dma_start3A_119 = arith.constant 8192 : i32
    %dma_start3A_120 = tpu.memref_slice %arg4[%add3A_67, %dma_start3A_119] : memref<128x16384xf32, #tpu.memory_space<hbm>> -> memref<1x4096xf32, #tpu.memory_space<hbm>>
    %dma_start3A_121 = tpu.memref_squeeze %dma_start3A_120 : memref<1x4096xf32, #tpu.memory_space<hbm>> -> memref<4096xf32, #tpu.memory_space<hbm>>
    %dma_start3A_122 = arith.constant 8192 : i32
    %dma_start3A_123 = tpu.memref_slice %arg4[%add3A_67, %dma_start3A_122] : memref<128x16384xf32, #tpu.memory_space<hbm>> -> memref<1x4096xf32, #tpu.memory_space<hbm>>
    %dma_start3A_124 = tpu.memref_squeeze %dma_start3A_123 : memref<1x4096xf32, #tpu.memory_space<hbm>> -> memref<4096xf32, #tpu.memory_space<hbm>>
    tpu.enqueue_dma source(%arg8 : memref<4096xf32, #tpu.memory_space<vmem>>) target(%dma_start3A_124 : memref<4096xf32, #tpu.memory_space<hbm>>) target_semaphore(%arg12 : memref<!tpu.dma_semaphore, #tpu.memory_space<semaphore_mem>>)
    %dma_wait3A_125 = arith.constant 4096 : i32
    %dma_wait3A_126 = tpu.memref_slice %arg4[%add3A_67, %dma_wait3A_125] : memref<128x16384xf32, #tpu.memory_space<hbm>> -> memref<1x4096xf32, #tpu.memory_space<hbm>>
    %dma_wait3A_127 = tpu.memref_squeeze %dma_wait3A_126 : memref<1x4096xf32, #tpu.memory_space<hbm>> -> memref<4096xf32, #tpu.memory_space<hbm>>
    %dma_wait3A_128 = arith.constant 4096 : i32
    %dma_wait3A_129 = tpu.memref_slice %arg4[%add3A_67, %dma_wait3A_128] : memref<128x16384xf32, #tpu.memory_space<hbm>> -> memref<1x4096xf32, #tpu.memory_space<hbm>>
    %dma_wait3A_130 = tpu.memref_squeeze %dma_wait3A_129 : memref<1x4096xf32, #tpu.memory_space<hbm>> -> memref<4096xf32, #tpu.memory_space<hbm>>
    tpu.wait_dma2 semaphore(%arg13 : memref<!tpu.dma_semaphore, #tpu.memory_space<semaphore_mem>>) src(%arg9 : memref<4096xf32, #tpu.memory_space<vmem>>) dst(%dma_wait3A_130 : memref<4096xf32, #tpu.memory_space<hbm>>)
    %parallel_loop3A_131 = arith.constant 0 : i32
    %parallel_loop3A_132 = arith.constant 4096 : i32
    %parallel_loop3A_133 = arith.constant 16 : i32
    scf.for %parallel_loop3A_304 = %parallel_loop3A_131 to %parallel_loop3A_132 step %parallel_loop3A_133  : i32 {
      %parallel_loop3A_305 = arith.constant 12288 : i32
      %parallel_loop3A_306 = arith.addi %parallel_loop3A_305, %parallel_loop3A_304 : i32
      %parallel_loop3A_307 = arith.index_cast %parallel_loop3A_306 : i32 to index
      %parallel_loop3A_308 = tpu.vector_load %arg6[%parallel_loop3A_307] {strides = array<i32>} : memref<16384xi32, #tpu.memory_space<vmem>>, vector<16xi32>,
      %parallel_loop3A_309 = tpu.vector_load_idx %arg7[%parallel_loop3A_308] : memref<100000xf32, #tpu.memory_space<vmem>>[vector<16xi32>], vector<16xf32>,
      %parallel_loop3A_310 = arith.index_cast %parallel_loop3A_304 : i32 to index
      %parallel_loop3A_311 = tpu.vector_load %arg9[%parallel_loop3A_310] {strides = array<i32>} : memref<4096xf32, #tpu.memory_space<vmem>>, vector<16xf32>,
      tpu.vector_store %arg9[%parallel_loop3A_310], %parallel_loop3A_309 {strides = array<i32>} : memref<4096xf32, #tpu.memory_space<vmem>>, vector<16xf32>,
    } {sc.loop_unroll_factor = 8 : i64, sc.parallel_access}
    %dma_start3A_134 = arith.constant 12288 : i32
    %dma_start3A_135 = tpu.memref_slice %arg4[%add3A_67, %dma_start3A_134] : memref<128x16384xf32, #tpu.memory_space<hbm>> -> memref<1x4096xf32, #tpu.memory_space<hbm>>
    %dma_start3A_136 = tpu.memref_squeeze %dma_start3A_135 : memref<1x4096xf32, #tpu.memory_space<hbm>> -> memref<4096xf32, #tpu.memory_space<hbm>>
    %dma_start3A_137 = arith.constant 12288 : i32
    %dma_start3A_138 = tpu.memref_slice %arg4[%add3A_67, %dma_start3A_137] : memref<128x16384xf32, #tpu.memory_space<hbm>> -> memref<1x4096xf32, #tpu.memory_space<hbm>>
    %dma_start3A_139 = tpu.memref_squeeze %dma_start3A_138 : memref<1x4096xf32, #tpu.memory_space<hbm>> -> memref<4096xf32, #tpu.memory_space<hbm>>
    tpu.enqueue_dma source(%arg9 : memref<4096xf32, #tpu.memory_space<vmem>>) target(%dma_start3A_139 : memref<4096xf32, #tpu.memory_space<hbm>>) target_semaphore(%arg13 : memref<!tpu.dma_semaphore, #tpu.memory_space<semaphore_mem>>)
    %mul3A_140 = arith.constant 4 : i32
    %mul3A_141 = arith.muli %add3A, %mul3A_140 : i32
    %add3A_142 = arith.constant 2 : i32
    %add3A_143 = arith.addi %mul3A_141, %add3A_142 : i32
    %dma_start3A_144 = arith.constant 0 : i32
    %dma_start3A_145 = tpu.memref_slice %arg2[%add3A_143, %dma_start3A_144] : memref<128x100000xf32, #tpu.memory_space<hbm>> -> memref<1x100000xf32, #tpu.memory_space<hbm>>
    %dma_start3A_146 = tpu.memref_squeeze %dma_start3A_145 : memref<1x100000xf32, #tpu.memory_space<hbm>> -> memref<100000xf32, #tpu.memory_space<hbm>>
    %dma_start3A_147 = arith.constant 0 : i32
    %dma_start3A_148 = tpu.memref_slice %arg2[%add3A_143, %dma_start3A_147] : memref<128x100000xf32, #tpu.memory_space<hbm>> -> memref<1x100000xf32, #tpu.memory_space<hbm>>
    %dma_start3A_149 = tpu.memref_squeeze %dma_start3A_148 : memref<1x100000xf32, #tpu.memory_space<hbm>> -> memref<100000xf32, #tpu.memory_space<hbm>>
    tpu.enqueue_dma source(%dma_start3A_149 : memref<100000xf32, #tpu.memory_space<hbm>>) target(%arg7 : memref<100000xf32, #tpu.memory_space<vmem>>) target_semaphore(%arg11 : memref<!tpu.dma_semaphore, #tpu.memory_space<semaphore_mem>>)
    %dma_wait3A_150 = arith.constant 0 : i32
    %dma_wait3A_151 = tpu.memref_slice %arg2[%add3A_143, %dma_wait3A_150] : memref<128x100000xf32, #tpu.memory_space<hbm>> -> memref<1x100000xf32, #tpu.memory_space<hbm>>
    %dma_wait3A_152 = tpu.memref_squeeze %dma_wait3A_151 : memref<1x100000xf32, #tpu.memory_space<hbm>> -> memref<100000xf32, #tpu.memory_space<hbm>>
    %dma_wait3A_153 = arith.constant 0 : i32
    %dma_wait3A_154 = tpu.memref_slice %arg2[%add3A_143, %dma_wait3A_153] : memref<128x100000xf32, #tpu.memory_space<hbm>> -> memref<1x100000xf32, #tpu.memory_space<hbm>>
    %dma_wait3A_155 = tpu.memref_squeeze %dma_wait3A_154 : memref<1x100000xf32, #tpu.memory_space<hbm>> -> memref<100000xf32, #tpu.memory_space<hbm>>
    tpu.wait_dma2 semaphore(%arg11 : memref<!tpu.dma_semaphore, #tpu.memory_space<semaphore_mem>>) src(%dma_wait3A_155 : memref<100000xf32, #tpu.memory_space<hbm>>) dst(%arg7 : memref<100000xf32, #tpu.memory_space<vmem>>)
    %dma_wait3A_156 = arith.constant 8192 : i32
    %dma_wait3A_157 = tpu.memref_slice %arg4[%add3A_67, %dma_wait3A_156] : memref<128x16384xf32, #tpu.memory_space<hbm>> -> memref<1x4096xf32, #tpu.memory_space<hbm>>
    %dma_wait3A_158 = tpu.memref_squeeze %dma_wait3A_157 : memref<1x4096xf32, #tpu.memory_space<hbm>> -> memref<4096xf32, #tpu.memory_space<hbm>>
    %dma_wait3A_159 = arith.constant 8192 : i32
    %dma_wait3A_160 = tpu.memref_slice %arg4[%add3A_67, %dma_wait3A_159] : memref<128x16384xf32, #tpu.memory_space<hbm>> -> memref<1x4096xf32, #tpu.memory_space<hbm>>
    %dma_wait3A_161 = tpu.memref_squeeze %dma_wait3A_160 : memref<1x4096xf32, #tpu.memory_space<hbm>> -> memref<4096xf32, #tpu.memory_space<hbm>>
    tpu.wait_dma2 semaphore(%arg12 : memref<!tpu.dma_semaphore, #tpu.memory_space<semaphore_mem>>) src(%arg8 : memref<4096xf32, #tpu.memory_space<vmem>>) dst(%dma_wait3A_161 : memref<4096xf32, #tpu.memory_space<hbm>>)
    %parallel_loop3A_162 = arith.constant 0 : i32
    %parallel_loop3A_163 = arith.constant 4096 : i32
    %parallel_loop3A_164 = arith.constant 16 : i32
    scf.for %parallel_loop3A_304 = %parallel_loop3A_162 to %parallel_loop3A_163 step %parallel_loop3A_164  : i32 {
      %parallel_loop3A_305 = arith.constant 0 : i32
      %parallel_loop3A_306 = arith.addi %parallel_loop3A_305, %parallel_loop3A_304 : i32
      %parallel_loop3A_307 = arith.index_cast %parallel_loop3A_306 : i32 to index
      %parallel_loop3A_308 = tpu.vector_load %arg6[%parallel_loop3A_307] {strides = array<i32>} : memref<16384xi32, #tpu.memory_space<vmem>>, vector<16xi32>,
      %parallel_loop3A_309 = tpu.vector_load_idx %arg7[%parallel_loop3A_308] : memref<100000xf32, #tpu.memory_space<vmem>>[vector<16xi32>], vector<16xf32>,
      %parallel_loop3A_310 = arith.index_cast %parallel_loop3A_304 : i32 to index
      %parallel_loop3A_311 = tpu.vector_load %arg8[%parallel_loop3A_310] {strides = array<i32>} : memref<4096xf32, #tpu.memory_space<vmem>>, vector<16xf32>,
      tpu.vector_store %arg8[%parallel_loop3A_310], %parallel_loop3A_309 {strides = array<i32>} : memref<4096xf32, #tpu.memory_space<vmem>>, vector<16xf32>,
    } {sc.loop_unroll_factor = 8 : i64, sc.parallel_access}
    %dma_start3A_165 = arith.constant 0 : i32
    %dma_start3A_166 = tpu.memref_slice %arg4[%add3A_143, %dma_start3A_165] : memref<128x16384xf32, #tpu.memory_space<hbm>> -> memref<1x4096xf32, #tpu.memory_space<hbm>>
    %dma_start3A_167 = tpu.memref_squeeze %dma_start3A_166 : memref<1x4096xf32, #tpu.memory_space<hbm>> -> memref<4096xf32, #tpu.memory_space<hbm>>
    %dma_start3A_168 = arith.constant 0 : i32
    %dma_start3A_169 = tpu.memref_slice %arg4[%add3A_143, %dma_start3A_168] : memref<128x16384xf32, #tpu.memory_space<hbm>> -> memref<1x4096xf32, #tpu.memory_space<hbm>>
    %dma_start3A_170 = tpu.memref_squeeze %dma_start3A_169 : memref<1x4096xf32, #tpu.memory_space<hbm>> -> memref<4096xf32, #tpu.memory_space<hbm>>
    tpu.enqueue_dma source(%arg8 : memref<4096xf32, #tpu.memory_space<vmem>>) target(%dma_start3A_170 : memref<4096xf32, #tpu.memory_space<hbm>>) target_semaphore(%arg12 : memref<!tpu.dma_semaphore, #tpu.memory_space<semaphore_mem>>)
    %dma_wait3A_171 = arith.constant 12288 : i32
    %dma_wait3A_172 = tpu.memref_slice %arg4[%add3A_67, %dma_wait3A_171] : memref<128x16384xf32, #tpu.memory_space<hbm>> -> memref<1x4096xf32, #tpu.memory_space<hbm>>
    %dma_wait3A_173 = tpu.memref_squeeze %dma_wait3A_172 : memref<1x4096xf32, #tpu.memory_space<hbm>> -> memref<4096xf32, #tpu.memory_space<hbm>>
    %dma_wait3A_174 = arith.constant 12288 : i32
    %dma_wait3A_175 = tpu.memref_slice %arg4[%add3A_67, %dma_wait3A_174] : memref<128x16384xf32, #tpu.memory_space<hbm>> -> memref<1x4096xf32, #tpu.memory_space<hbm>>
    %dma_wait3A_176 = tpu.memref_squeeze %dma_wait3A_175 : memref<1x4096xf32, #tpu.memory_space<hbm>> -> memref<4096xf32, #tpu.memory_space<hbm>>
    tpu.wait_dma2 semaphore(%arg13 : memref<!tpu.dma_semaphore, #tpu.memory_space<semaphore_mem>>) src(%arg9 : memref<4096xf32, #tpu.memory_space<vmem>>) dst(%dma_wait3A_176 : memref<4096xf32, #tpu.memory_space<hbm>>)
    %parallel_loop3A_177 = arith.constant 0 : i32
    %parallel_loop3A_178 = arith.constant 4096 : i32
    %parallel_loop3A_179 = arith.constant 16 : i32
    scf.for %parallel_loop3A_304 = %parallel_loop3A_177 to %parallel_loop3A_178 step %parallel_loop3A_179  : i32 {
      %parallel_loop3A_305 = arith.constant 4096 : i32
      %parallel_loop3A_306 = arith.addi %parallel_loop3A_305, %parallel_loop3A_304 : i32
      %parallel_loop3A_307 = arith.index_cast %parallel_loop3A_306 : i32 to index
      %parallel_loop3A_308 = tpu.vector_load %arg6[%parallel_loop3A_307] {strides = array<i32>} : memref<16384xi32, #tpu.memory_space<vmem>>, vector<16xi32>,
      %parallel_loop3A_309 = tpu.vector_load_idx %arg7[%parallel_loop3A_308] : memref<100000xf32, #tpu.memory_space<vmem>>[vector<16xi32>], vector<16xf32>,
      %parallel_loop3A_310 = arith.index_cast %parallel_loop3A_304 : i32 to index
      %parallel_loop3A_311 = tpu.vector_load %arg9[%parallel_loop3A_310] {strides = array<i32>} : memref<4096xf32, #tpu.memory_space<vmem>>, vector<16xf32>,
      tpu.vector_store %arg9[%parallel_loop3A_310], %parallel_loop3A_309 {strides = array<i32>} : memref<4096xf32, #tpu.memory_space<vmem>>, vector<16xf32>,
    } {sc.loop_unroll_factor = 8 : i64, sc.parallel_access}
    %dma_start3A_180 = arith.constant 4096 : i32
    %dma_start3A_181 = tpu.memref_slice %arg4[%add3A_143, %dma_start3A_180] : memref<128x16384xf32, #tpu.memory_space<hbm>> -> memref<1x4096xf32, #tpu.memory_space<hbm>>
    %dma_start3A_182 = tpu.memref_squeeze %dma_start3A_181 : memref<1x4096xf32, #tpu.memory_space<hbm>> -> memref<4096xf32, #tpu.memory_space<hbm>>
    %dma_start3A_183 = arith.constant 4096 : i32
    %dma_start3A_184 = tpu.memref_slice %arg4[%add3A_143, %dma_start3A_183] : memref<128x16384xf32, #tpu.memory_space<hbm>> -> memref<1x4096xf32, #tpu.memory_space<hbm>>
    %dma_start3A_185 = tpu.memref_squeeze %dma_start3A_184 : memref<1x4096xf32, #tpu.memory_space<hbm>> -> memref<4096xf32, #tpu.memory_space<hbm>>
    tpu.enqueue_dma source(%arg9 : memref<4096xf32, #tpu.memory_space<vmem>>) target(%dma_start3A_185 : memref<4096xf32, #tpu.memory_space<hbm>>) target_semaphore(%arg13 : memref<!tpu.dma_semaphore, #tpu.memory_space<semaphore_mem>>)
    %dma_wait3A_186 = arith.constant 0 : i32
    %dma_wait3A_187 = tpu.memref_slice %arg4[%add3A_143, %dma_wait3A_186] : memref<128x16384xf32, #tpu.memory_space<hbm>> -> memref<1x4096xf32, #tpu.memory_space<hbm>>
    %dma_wait3A_188 = tpu.memref_squeeze %dma_wait3A_187 : memref<1x4096xf32, #tpu.memory_space<hbm>> -> memref<4096xf32, #tpu.memory_space<hbm>>
    %dma_wait3A_189 = arith.constant 0 : i32
    %dma_wait3A_190 = tpu.memref_slice %arg4[%add3A_143, %dma_wait3A_189] : memref<128x16384xf32, #tpu.memory_space<hbm>> -> memref<1x4096xf32, #tpu.memory_space<hbm>>
    %dma_wait3A_191 = tpu.memref_squeeze %dma_wait3A_190 : memref<1x4096xf32, #tpu.memory_space<hbm>> -> memref<4096xf32, #tpu.memory_space<hbm>>
    tpu.wait_dma2 semaphore(%arg12 : memref<!tpu.dma_semaphore, #tpu.memory_space<semaphore_mem>>) src(%arg8 : memref<4096xf32, #tpu.memory_space<vmem>>) dst(%dma_wait3A_191 : memref<4096xf32, #tpu.memory_space<hbm>>)
    %parallel_loop3A_192 = arith.constant 0 : i32
    %parallel_loop3A_193 = arith.constant 4096 : i32
    %parallel_loop3A_194 = arith.constant 16 : i32
    scf.for %parallel_loop3A_304 = %parallel_loop3A_192 to %parallel_loop3A_193 step %parallel_loop3A_194  : i32 {
      %parallel_loop3A_305 = arith.constant 8192 : i32
      %parallel_loop3A_306 = arith.addi %parallel_loop3A_305, %parallel_loop3A_304 : i32
      %parallel_loop3A_307 = arith.index_cast %parallel_loop3A_306 : i32 to index
      %parallel_loop3A_308 = tpu.vector_load %arg6[%parallel_loop3A_307] {strides = array<i32>} : memref<16384xi32, #tpu.memory_space<vmem>>, vector<16xi32>,
      %parallel_loop3A_309 = tpu.vector_load_idx %arg7[%parallel_loop3A_308] : memref<100000xf32, #tpu.memory_space<vmem>>[vector<16xi32>], vector<16xf32>,
      %parallel_loop3A_310 = arith.index_cast %parallel_loop3A_304 : i32 to index
      %parallel_loop3A_311 = tpu.vector_load %arg8[%parallel_loop3A_310] {strides = array<i32>} : memref<4096xf32, #tpu.memory_space<vmem>>, vector<16xf32>,
      tpu.vector_store %arg8[%parallel_loop3A_310], %parallel_loop3A_309 {strides = array<i32>} : memref<4096xf32, #tpu.memory_space<vmem>>, vector<16xf32>,
    } {sc.loop_unroll_factor = 8 : i64, sc.parallel_access}
    %dma_start3A_195 = arith.constant 8192 : i32
    %dma_start3A_196 = tpu.memref_slice %arg4[%add3A_143, %dma_start3A_195] : memref<128x16384xf32, #tpu.memory_space<hbm>> -> memref<1x4096xf32, #tpu.memory_space<hbm>>
    %dma_start3A_197 = tpu.memref_squeeze %dma_start3A_196 : memref<1x4096xf32, #tpu.memory_space<hbm>> -> memref<4096xf32, #tpu.memory_space<hbm>>
    %dma_start3A_198 = arith.constant 8192 : i32
    %dma_start3A_199 = tpu.memref_slice %arg4[%add3A_143, %dma_start3A_198] : memref<128x16384xf32, #tpu.memory_space<hbm>> -> memref<1x4096xf32, #tpu.memory_space<hbm>>
    %dma_start3A_200 = tpu.memref_squeeze %dma_start3A_199 : memref<1x4096xf32, #tpu.memory_space<hbm>> -> memref<4096xf32, #tpu.memory_space<hbm>>
    tpu.enqueue_dma source(%arg8 : memref<4096xf32, #tpu.memory_space<vmem>>) target(%dma_start3A_200 : memref<4096xf32, #tpu.memory_space<hbm>>) target_semaphore(%arg12 : memref<!tpu.dma_semaphore, #tpu.memory_space<semaphore_mem>>)
    %dma_wait3A_201 = arith.constant 4096 : i32
    %dma_wait3A_202 = tpu.memref_slice %arg4[%add3A_143, %dma_wait3A_201] : memref<128x16384xf32, #tpu.memory_space<hbm>> -> memref<1x4096xf32, #tpu.memory_space<hbm>>
    %dma_wait3A_203 = tpu.memref_squeeze %dma_wait3A_202 : memref<1x4096xf32, #tpu.memory_space<hbm>> -> memref<4096xf32, #tpu.memory_space<hbm>>
    %dma_wait3A_204 = arith.constant 4096 : i32
    %dma_wait3A_205 = tpu.memref_slice %arg4[%add3A_143, %dma_wait3A_204] : memref<128x16384xf32, #tpu.memory_space<hbm>> -> memref<1x4096xf32, #tpu.memory_space<hbm>>
    %dma_wait3A_206 = tpu.memref_squeeze %dma_wait3A_205 : memref<1x4096xf32, #tpu.memory_space<hbm>> -> memref<4096xf32, #tpu.memory_space<hbm>>
    tpu.wait_dma2 semaphore(%arg13 : memref<!tpu.dma_semaphore, #tpu.memory_space<semaphore_mem>>) src(%arg9 : memref<4096xf32, #tpu.memory_space<vmem>>) dst(%dma_wait3A_206 : memref<4096xf32, #tpu.memory_space<hbm>>)
    %parallel_loop3A_207 = arith.constant 0 : i32
    %parallel_loop3A_208 = arith.constant 4096 : i32
    %parallel_loop3A_209 = arith.constant 16 : i32
    scf.for %parallel_loop3A_304 = %parallel_loop3A_207 to %parallel_loop3A_208 step %parallel_loop3A_209  : i32 {
      %parallel_loop3A_305 = arith.constant 12288 : i32
      %parallel_loop3A_306 = arith.addi %parallel_loop3A_305, %parallel_loop3A_304 : i32
      %parallel_loop3A_307 = arith.index_cast %parallel_loop3A_306 : i32 to index
      %parallel_loop3A_308 = tpu.vector_load %arg6[%parallel_loop3A_307] {strides = array<i32>} : memref<16384xi32, #tpu.memory_space<vmem>>, vector<16xi32>,
      %parallel_loop3A_309 = tpu.vector_load_idx %arg7[%parallel_loop3A_308] : memref<100000xf32, #tpu.memory_space<vmem>>[vector<16xi32>], vector<16xf32>,
      %parallel_loop3A_310 = arith.index_cast %parallel_loop3A_304 : i32 to index
      %parallel_loop3A_311 = tpu.vector_load %arg9[%parallel_loop3A_310] {strides = array<i32>} : memref<4096xf32, #tpu.memory_space<vmem>>, vector<16xf32>,
      tpu.vector_store %arg9[%parallel_loop3A_310], %parallel_loop3A_309 {strides = array<i32>} : memref<4096xf32, #tpu.memory_space<vmem>>, vector<16xf32>,
    } {sc.loop_unroll_factor = 8 : i64, sc.parallel_access}
    %dma_start3A_210 = arith.constant 12288 : i32
    %dma_start3A_211 = tpu.memref_slice %arg4[%add3A_143, %dma_start3A_210] : memref<128x16384xf32, #tpu.memory_space<hbm>> -> memref<1x4096xf32, #tpu.memory_space<hbm>>
    %dma_start3A_212 = tpu.memref_squeeze %dma_start3A_211 : memref<1x4096xf32, #tpu.memory_space<hbm>> -> memref<4096xf32, #tpu.memory_space<hbm>>
    %dma_start3A_213 = arith.constant 12288 : i32
    %dma_start3A_214 = tpu.memref_slice %arg4[%add3A_143, %dma_start3A_213] : memref<128x16384xf32, #tpu.memory_space<hbm>> -> memref<1x4096xf32, #tpu.memory_space<hbm>>
    %dma_start3A_215 = tpu.memref_squeeze %dma_start3A_214 : memref<1x4096xf32, #tpu.memory_space<hbm>> -> memref<4096xf32, #tpu.memory_space<hbm>>
    tpu.enqueue_dma source(%arg9 : memref<4096xf32, #tpu.memory_space<vmem>>) target(%dma_start3A_215 : memref<4096xf32, #tpu.memory_space<hbm>>) target_semaphore(%arg13 : memref<!tpu.dma_semaphore, #tpu.memory_space<semaphore_mem>>)
    %mul3A_216 = arith.constant 4 : i32
    %mul3A_217 = arith.muli %add3A, %mul3A_216 : i32
    %add3A_218 = arith.constant 3 : i32
    %add3A_219 = arith.addi %mul3A_217, %add3A_218 : i32
    %dma_start3A_220 = arith.constant 0 : i32
    %dma_start3A_221 = tpu.memref_slice %arg2[%add3A_219, %dma_start3A_220] : memref<128x100000xf32, #tpu.memory_space<hbm>> -> memref<1x100000xf32, #tpu.memory_space<hbm>>
    %dma_start3A_222 = tpu.memref_squeeze %dma_start3A_221 : memref<1x100000xf32, #tpu.memory_space<hbm>> -> memref<100000xf32, #tpu.memory_space<hbm>>
    %dma_start3A_223 = arith.constant 0 : i32
    %dma_start3A_224 = tpu.memref_slice %arg2[%add3A_219, %dma_start3A_223] : memref<128x100000xf32, #tpu.memory_space<hbm>> -> memref<1x100000xf32, #tpu.memory_space<hbm>>
    %dma_start3A_225 = tpu.memref_squeeze %dma_start3A_224 : memref<1x100000xf32, #tpu.memory_space<hbm>> -> memref<100000xf32, #tpu.memory_space<hbm>>
    tpu.enqueue_dma source(%dma_start3A_225 : memref<100000xf32, #tpu.memory_space<hbm>>) target(%arg7 : memref<100000xf32, #tpu.memory_space<vmem>>) target_semaphore(%arg11 : memref<!tpu.dma_semaphore, #tpu.memory_space<semaphore_mem>>)
    %dma_wait3A_226 = arith.constant 0 : i32
    %dma_wait3A_227 = tpu.memref_slice %arg2[%add3A_219, %dma_wait3A_226] : memref<128x100000xf32, #tpu.memory_space<hbm>> -> memref<1x100000xf32, #tpu.memory_space<hbm>>
    %dma_wait3A_228 = tpu.memref_squeeze %dma_wait3A_227 : memref<1x100000xf32, #tpu.memory_space<hbm>> -> memref<100000xf32, #tpu.memory_space<hbm>>
    %dma_wait3A_229 = arith.constant 0 : i32
    %dma_wait3A_230 = tpu.memref_slice %arg2[%add3A_219, %dma_wait3A_229] : memref<128x100000xf32, #tpu.memory_space<hbm>> -> memref<1x100000xf32, #tpu.memory_space<hbm>>
    %dma_wait3A_231 = tpu.memref_squeeze %dma_wait3A_230 : memref<1x100000xf32, #tpu.memory_space<hbm>> -> memref<100000xf32, #tpu.memory_space<hbm>>
    tpu.wait_dma2 semaphore(%arg11 : memref<!tpu.dma_semaphore, #tpu.memory_space<semaphore_mem>>) src(%dma_wait3A_231 : memref<100000xf32, #tpu.memory_space<hbm>>) dst(%arg7 : memref<100000xf32, #tpu.memory_space<vmem>>)
    %dma_wait3A_232 = arith.constant 8192 : i32
    %dma_wait3A_233 = tpu.memref_slice %arg4[%add3A_143, %dma_wait3A_232] : memref<128x16384xf32, #tpu.memory_space<hbm>> -> memref<1x4096xf32, #tpu.memory_space<hbm>>
    %dma_wait3A_234 = tpu.memref_squeeze %dma_wait3A_233 : memref<1x4096xf32, #tpu.memory_space<hbm>> -> memref<4096xf32, #tpu.memory_space<hbm>>
    %dma_wait3A_235 = arith.constant 8192 : i32
    %dma_wait3A_236 = tpu.memref_slice %arg4[%add3A_143, %dma_wait3A_235] : memref<128x16384xf32, #tpu.memory_space<hbm>> -> memref<1x4096xf32, #tpu.memory_space<hbm>>
    %dma_wait3A_237 = tpu.memref_squeeze %dma_wait3A_236 : memref<1x4096xf32, #tpu.memory_space<hbm>> -> memref<4096xf32, #tpu.memory_space<hbm>>
    tpu.wait_dma2 semaphore(%arg12 : memref<!tpu.dma_semaphore, #tpu.memory_space<semaphore_mem>>) src(%arg8 : memref<4096xf32, #tpu.memory_space<vmem>>) dst(%dma_wait3A_237 : memref<4096xf32, #tpu.memory_space<hbm>>)
    %parallel_loop3A_238 = arith.constant 0 : i32
    %parallel_loop3A_239 = arith.constant 4096 : i32
    %parallel_loop3A_240 = arith.constant 16 : i32
    scf.for %parallel_loop3A_304 = %parallel_loop3A_238 to %parallel_loop3A_239 step %parallel_loop3A_240  : i32 {
      %parallel_loop3A_305 = arith.constant 0 : i32
      %parallel_loop3A_306 = arith.addi %parallel_loop3A_305, %parallel_loop3A_304 : i32
      %parallel_loop3A_307 = arith.index_cast %parallel_loop3A_306 : i32 to index
      %parallel_loop3A_308 = tpu.vector_load %arg6[%parallel_loop3A_307] {strides = array<i32>} : memref<16384xi32, #tpu.memory_space<vmem>>, vector<16xi32>,
      %parallel_loop3A_309 = tpu.vector_load_idx %arg7[%parallel_loop3A_308] : memref<100000xf32, #tpu.memory_space<vmem>>[vector<16xi32>], vector<16xf32>,
      %parallel_loop3A_310 = arith.index_cast %parallel_loop3A_304 : i32 to index
      %parallel_loop3A_311 = tpu.vector_load %arg8[%parallel_loop3A_310] {strides = array<i32>} : memref<4096xf32, #tpu.memory_space<vmem>>, vector<16xf32>,
      tpu.vector_store %arg8[%parallel_loop3A_310], %parallel_loop3A_309 {strides = array<i32>} : memref<4096xf32, #tpu.memory_space<vmem>>, vector<16xf32>,
    } {sc.loop_unroll_factor = 8 : i64, sc.parallel_access}
    %dma_start3A_241 = arith.constant 0 : i32
    %dma_start3A_242 = tpu.memref_slice %arg4[%add3A_219, %dma_start3A_241] : memref<128x16384xf32, #tpu.memory_space<hbm>> -> memref<1x4096xf32, #tpu.memory_space<hbm>>
    %dma_start3A_243 = tpu.memref_squeeze %dma_start3A_242 : memref<1x4096xf32, #tpu.memory_space<hbm>> -> memref<4096xf32, #tpu.memory_space<hbm>>
    %dma_start3A_244 = arith.constant 0 : i32
    %dma_start3A_245 = tpu.memref_slice %arg4[%add3A_219, %dma_start3A_244] : memref<128x16384xf32, #tpu.memory_space<hbm>> -> memref<1x4096xf32, #tpu.memory_space<hbm>>
    %dma_start3A_246 = tpu.memref_squeeze %dma_start3A_245 : memref<1x4096xf32, #tpu.memory_space<hbm>> -> memref<4096xf32, #tpu.memory_space<hbm>>
    tpu.enqueue_dma source(%arg8 : memref<4096xf32, #tpu.memory_space<vmem>>) target(%dma_start3A_246 : memref<4096xf32, #tpu.memory_space<hbm>>) target_semaphore(%arg12 : memref<!tpu.dma_semaphore, #tpu.memory_space<semaphore_mem>>)
    %dma_wait3A_247 = arith.constant 12288 : i32
    %dma_wait3A_248 = tpu.memref_slice %arg4[%add3A_143, %dma_wait3A_247] : memref<128x16384xf32, #tpu.memory_space<hbm>> -> memref<1x4096xf32, #tpu.memory_space<hbm>>
    %dma_wait3A_249 = tpu.memref_squeeze %dma_wait3A_248 : memref<1x4096xf32, #tpu.memory_space<hbm>> -> memref<4096xf32, #tpu.memory_space<hbm>>
    %dma_wait3A_250 = arith.constant 12288 : i32
    %dma_wait3A_251 = tpu.memref_slice %arg4[%add3A_143, %dma_wait3A_250] : memref<128x16384xf32, #tpu.memory_space<hbm>> -> memref<1x4096xf32, #tpu.memory_space<hbm>>
    %dma_wait3A_252 = tpu.memref_squeeze %dma_wait3A_251 : memref<1x4096xf32, #tpu.memory_space<hbm>> -> memref<4096xf32, #tpu.memory_space<hbm>>
    tpu.wait_dma2 semaphore(%arg13 : memref<!tpu.dma_semaphore, #tpu.memory_space<semaphore_mem>>) src(%arg9 : memref<4096xf32, #tpu.memory_space<vmem>>) dst(%dma_wait3A_252 : memref<4096xf32, #tpu.memory_space<hbm>>)
    %parallel_loop3A_253 = arith.constant 0 : i32
    %parallel_loop3A_254 = arith.constant 4096 : i32
    %parallel_loop3A_255 = arith.constant 16 : i32
    scf.for %parallel_loop3A_304 = %parallel_loop3A_253 to %parallel_loop3A_254 step %parallel_loop3A_255  : i32 {
      %parallel_loop3A_305 = arith.constant 4096 : i32
      %parallel_loop3A_306 = arith.addi %parallel_loop3A_305, %parallel_loop3A_304 : i32
      %parallel_loop3A_307 = arith.index_cast %parallel_loop3A_306 : i32 to index
      %parallel_loop3A_308 = tpu.vector_load %arg6[%parallel_loop3A_307] {strides = array<i32>} : memref<16384xi32, #tpu.memory_space<vmem>>, vector<16xi32>,
      %parallel_loop3A_309 = tpu.vector_load_idx %arg7[%parallel_loop3A_308] : memref<100000xf32, #tpu.memory_space<vmem>>[vector<16xi32>], vector<16xf32>,
      %parallel_loop3A_310 = arith.index_cast %parallel_loop3A_304 : i32 to index
      %parallel_loop3A_311 = tpu.vector_load %arg9[%parallel_loop3A_310] {strides = array<i32>} : memref<4096xf32, #tpu.memory_space<vmem>>, vector<16xf32>,
      tpu.vector_store %arg9[%parallel_loop3A_310], %parallel_loop3A_309 {strides = array<i32>} : memref<4096xf32, #tpu.memory_space<vmem>>, vector<16xf32>,
    } {sc.loop_unroll_factor = 8 : i64, sc.parallel_access}
    %dma_start3A_256 = arith.constant 4096 : i32
    %dma_start3A_257 = tpu.memref_slice %arg4[%add3A_219, %dma_start3A_256] : memref<128x16384xf32, #tpu.memory_space<hbm>> -> memref<1x4096xf32, #tpu.memory_space<hbm>>
    %dma_start3A_258 = tpu.memref_squeeze %dma_start3A_257 : memref<1x4096xf32, #tpu.memory_space<hbm>> -> memref<4096xf32, #tpu.memory_space<hbm>>
    %dma_start3A_259 = arith.constant 4096 : i32
    %dma_start3A_260 = tpu.memref_slice %arg4[%add3A_219, %dma_start3A_259] : memref<128x16384xf32, #tpu.memory_space<hbm>> -> memref<1x4096xf32, #tpu.memory_space<hbm>>
    %dma_start3A_261 = tpu.memref_squeeze %dma_start3A_260 : memref<1x4096xf32, #tpu.memory_space<hbm>> -> memref<4096xf32, #tpu.memory_space<hbm>>
    tpu.enqueue_dma source(%arg9 : memref<4096xf32, #tpu.memory_space<vmem>>) target(%dma_start3A_261 : memref<4096xf32, #tpu.memory_space<hbm>>) target_semaphore(%arg13 : memref<!tpu.dma_semaphore, #tpu.memory_space<semaphore_mem>>)
    %dma_wait3A_262 = arith.constant 0 : i32
    %dma_wait3A_263 = tpu.memref_slice %arg4[%add3A_219, %dma_wait3A_262] : memref<128x16384xf32, #tpu.memory_space<hbm>> -> memref<1x4096xf32, #tpu.memory_space<hbm>>
    %dma_wait3A_264 = tpu.memref_squeeze %dma_wait3A_263 : memref<1x4096xf32, #tpu.memory_space<hbm>> -> memref<4096xf32, #tpu.memory_space<hbm>>
    %dma_wait3A_265 = arith.constant 0 : i32
    %dma_wait3A_266 = tpu.memref_slice %arg4[%add3A_219, %dma_wait3A_265] : memref<128x16384xf32, #tpu.memory_space<hbm>> -> memref<1x4096xf32, #tpu.memory_space<hbm>>
    %dma_wait3A_267 = tpu.memref_squeeze %dma_wait3A_266 : memref<1x4096xf32, #tpu.memory_space<hbm>> -> memref<4096xf32, #tpu.memory_space<hbm>>
    tpu.wait_dma2 semaphore(%arg12 : memref<!tpu.dma_semaphore, #tpu.memory_space<semaphore_mem>>) src(%arg8 : memref<4096xf32, #tpu.memory_space<vmem>>) dst(%dma_wait3A_267 : memref<4096xf32, #tpu.memory_space<hbm>>)
    %parallel_loop3A_268 = arith.constant 0 : i32
    %parallel_loop3A_269 = arith.constant 4096 : i32
    %parallel_loop3A_270 = arith.constant 16 : i32
    scf.for %parallel_loop3A_304 = %parallel_loop3A_268 to %parallel_loop3A_269 step %parallel_loop3A_270  : i32 {
      %parallel_loop3A_305 = arith.constant 8192 : i32
      %parallel_loop3A_306 = arith.addi %parallel_loop3A_305, %parallel_loop3A_304 : i32
      %parallel_loop3A_307 = arith.index_cast %parallel_loop3A_306 : i32 to index
      %parallel_loop3A_308 = tpu.vector_load %arg6[%parallel_loop3A_307] {strides = array<i32>} : memref<16384xi32, #tpu.memory_space<vmem>>, vector<16xi32>,
      %parallel_loop3A_309 = tpu.vector_load_idx %arg7[%parallel_loop3A_308] : memref<100000xf32, #tpu.memory_space<vmem>>[vector<16xi32>], vector<16xf32>,
      %parallel_loop3A_310 = arith.index_cast %parallel_loop3A_304 : i32 to index
      %parallel_loop3A_311 = tpu.vector_load %arg8[%parallel_loop3A_310] {strides = array<i32>} : memref<4096xf32, #tpu.memory_space<vmem>>, vector<16xf32>,
      tpu.vector_store %arg8[%parallel_loop3A_310], %parallel_loop3A_309 {strides = array<i32>} : memref<4096xf32, #tpu.memory_space<vmem>>, vector<16xf32>,
    } {sc.loop_unroll_factor = 8 : i64, sc.parallel_access}
    %dma_start3A_271 = arith.constant 8192 : i32
    %dma_start3A_272 = tpu.memref_slice %arg4[%add3A_219, %dma_start3A_271] : memref<128x16384xf32, #tpu.memory_space<hbm>> -> memref<1x4096xf32, #tpu.memory_space<hbm>>
    %dma_start3A_273 = tpu.memref_squeeze %dma_start3A_272 : memref<1x4096xf32, #tpu.memory_space<hbm>> -> memref<4096xf32, #tpu.memory_space<hbm>>
    %dma_start3A_274 = arith.constant 8192 : i32
    %dma_start3A_275 = tpu.memref_slice %arg4[%add3A_219, %dma_start3A_274] : memref<128x16384xf32, #tpu.memory_space<hbm>> -> memref<1x4096xf32, #tpu.memory_space<hbm>>
    %dma_start3A_276 = tpu.memref_squeeze %dma_start3A_275 : memref<1x4096xf32, #tpu.memory_space<hbm>> -> memref<4096xf32, #tpu.memory_space<hbm>>
    tpu.enqueue_dma source(%arg8 : memref<4096xf32, #tpu.memory_space<vmem>>) target(%dma_start3A_276 : memref<4096xf32, #tpu.memory_space<hbm>>) target_semaphore(%arg12 : memref<!tpu.dma_semaphore, #tpu.memory_space<semaphore_mem>>)
    %dma_wait3A_277 = arith.constant 4096 : i32
    %dma_wait3A_278 = tpu.memref_slice %arg4[%add3A_219, %dma_wait3A_277] : memref<128x16384xf32, #tpu.memory_space<hbm>> -> memref<1x4096xf32, #tpu.memory_space<hbm>>
    %dma_wait3A_279 = tpu.memref_squeeze %dma_wait3A_278 : memref<1x4096xf32, #tpu.memory_space<hbm>> -> memref<4096xf32, #tpu.memory_space<hbm>>
    %dma_wait3A_280 = arith.constant 4096 : i32
    %dma_wait3A_281 = tpu.memref_slice %arg4[%add3A_219, %dma_wait3A_280] : memref<128x16384xf32, #tpu.memory_space<hbm>> -> memref<1x4096xf32, #tpu.memory_space<hbm>>
    %dma_wait3A_282 = tpu.memref_squeeze %dma_wait3A_281 : memref<1x4096xf32, #tpu.memory_space<hbm>> -> memref<4096xf32, #tpu.memory_space<hbm>>
    tpu.wait_dma2 semaphore(%arg13 : memref<!tpu.dma_semaphore, #tpu.memory_space<semaphore_mem>>) src(%arg9 : memref<4096xf32, #tpu.memory_space<vmem>>) dst(%dma_wait3A_282 : memref<4096xf32, #tpu.memory_space<hbm>>)
    %parallel_loop3A_283 = arith.constant 0 : i32
    %parallel_loop3A_284 = arith.constant 4096 : i32
    %parallel_loop3A_285 = arith.constant 16 : i32
    scf.for %parallel_loop3A_304 = %parallel_loop3A_283 to %parallel_loop3A_284 step %parallel_loop3A_285  : i32 {
      %parallel_loop3A_305 = arith.constant 12288 : i32
      %parallel_loop3A_306 = arith.addi %parallel_loop3A_305, %parallel_loop3A_304 : i32
      %parallel_loop3A_307 = arith.index_cast %parallel_loop3A_306 : i32 to index
      %parallel_loop3A_308 = tpu.vector_load %arg6[%parallel_loop3A_307] {strides = array<i32>} : memref<16384xi32, #tpu.memory_space<vmem>>, vector<16xi32>,
      %parallel_loop3A_309 = tpu.vector_load_idx %arg7[%parallel_loop3A_308] : memref<100000xf32, #tpu.memory_space<vmem>>[vector<16xi32>], vector<16xf32>,
      %parallel_loop3A_310 = arith.index_cast %parallel_loop3A_304 : i32 to index
      %parallel_loop3A_311 = tpu.vector_load %arg9[%parallel_loop3A_310] {strides = array<i32>} : memref<4096xf32, #tpu.memory_space<vmem>>, vector<16xf32>,
      tpu.vector_store %arg9[%parallel_loop3A_310], %parallel_loop3A_309 {strides = array<i32>} : memref<4096xf32, #tpu.memory_space<vmem>>, vector<16xf32>,
    } {sc.loop_unroll_factor = 8 : i64, sc.parallel_access}
    %dma_start3A_286 = arith.constant 12288 : i32
    %dma_start3A_287 = tpu.memref_slice %arg4[%add3A_219, %dma_start3A_286] : memref<128x16384xf32, #tpu.memory_space<hbm>> -> memref<1x4096xf32, #tpu.memory_space<hbm>>
    %dma_start3A_288 = tpu.memref_squeeze %dma_start3A_287 : memref<1x4096xf32, #tpu.memory_space<hbm>> -> memref<4096xf32, #tpu.memory_space<hbm>>
    %dma_start3A_289 = arith.constant 12288 : i32
    %dma_start3A_290 = tpu.memref_slice %arg4[%add3A_219, %dma_start3A_289] : memref<128x16384xf32, #tpu.memory_space<hbm>> -> memref<1x4096xf32, #tpu.memory_space<hbm>>
    %dma_start3A_291 = tpu.memref_squeeze %dma_start3A_290 : memref<1x4096xf32, #tpu.memory_space<hbm>> -> memref<4096xf32, #tpu.memory_space<hbm>>
    tpu.enqueue_dma source(%arg9 : memref<4096xf32, #tpu.memory_space<vmem>>) target(%dma_start3A_291 : memref<4096xf32, #tpu.memory_space<hbm>>) target_semaphore(%arg13 : memref<!tpu.dma_semaphore, #tpu.memory_space<semaphore_mem>>)
    %dma_wait3A_292 = arith.constant 8192 : i32
    %dma_wait3A_293 = tpu.memref_slice %arg4[%add3A_219, %dma_wait3A_292] : memref<128x16384xf32, #tpu.memory_space<hbm>> -> memref<1x4096xf32, #tpu.memory_space<hbm>>
    %dma_wait3A_294 = tpu.memref_squeeze %dma_wait3A_293 : memref<1x4096xf32, #tpu.memory_space<hbm>> -> memref<4096xf32, #tpu.memory_space<hbm>>
    %dma_wait3A_295 = arith.constant 8192 : i32
    %dma_wait3A_296 = tpu.memref_slice %arg4[%add3A_219, %dma_wait3A_295] : memref<128x16384xf32, #tpu.memory_space<hbm>> -> memref<1x4096xf32, #tpu.memory_space<hbm>>
    %dma_wait3A_297 = tpu.memref_squeeze %dma_wait3A_296 : memref<1x4096xf32, #tpu.memory_space<hbm>> -> memref<4096xf32, #tpu.memory_space<hbm>>
    tpu.wait_dma2 semaphore(%arg12 : memref<!tpu.dma_semaphore, #tpu.memory_space<semaphore_mem>>) src(%arg8 : memref<4096xf32, #tpu.memory_space<vmem>>) dst(%dma_wait3A_297 : memref<4096xf32, #tpu.memory_space<hbm>>)
    %dma_wait3A_298 = arith.constant 12288 : i32
    %dma_wait3A_299 = tpu.memref_slice %arg4[%add3A_219, %dma_wait3A_298] : memref<128x16384xf32, #tpu.memory_space<hbm>> -> memref<1x4096xf32, #tpu.memory_space<hbm>>
    %dma_wait3A_300 = tpu.memref_squeeze %dma_wait3A_299 : memref<1x4096xf32, #tpu.memory_space<hbm>> -> memref<4096xf32, #tpu.memory_space<hbm>>
    %dma_wait3A_301 = arith.constant 12288 : i32
    %dma_wait3A_302 = tpu.memref_slice %arg4[%add3A_219, %dma_wait3A_301] : memref<128x16384xf32, #tpu.memory_space<hbm>> -> memref<1x4096xf32, #tpu.memory_space<hbm>>
    %dma_wait3A_303 = tpu.memref_squeeze %dma_wait3A_302 : memref<1x4096xf32, #tpu.memory_space<hbm>> -> memref<4096xf32, #tpu.memory_space<hbm>>
    tpu.wait_dma2 semaphore(%arg13 : memref<!tpu.dma_semaphore, #tpu.memory_space<semaphore_mem>>) src(%arg9 : memref<4096xf32, #tpu.memory_space<vmem>>) dst(%dma_wait3A_303 : memref<4096xf32, #tpu.memory_space<hbm>>)
    return
  }
}

</mosaic_0001>

<sc_bundles>
// kernel: kernel.3.cloned.1.call-start
scs
__scs_entry_jumppad:
0x0: {  	(pc) =	sbr.rel $0x88, $3  }
0x1: {  	(tag) =	ssettag $0x0;
	lr =	simm.s32 $0x1  }
0x2: {  	[smem:$0x3F9F] =	sst lr;
	_ =	strace $0xD0000000  }
0x3: {  	_ = 	snop  }
0x4: {  	_ = 	snop  }
0x5: {  	_ = 	snop  }
0x6: {  	_ = 	snop  }
0x7: {  	_ = 	snop  }
__scs_overlays_trampoline_lowered:
0x8: {  	[smem:$0x3FAE] =	sst s0  }
0x9: {  	[smem:$0x3FAF] =	sst s1  }
0xa: {  	[smem:$0x3FB0] =	sst s2  }
0xb: {  	[smem:$0x3FB1] =	sst s3  }
0xc: {  	[smem:$0x3FB2] =	sst s4  }
0xd: {  	[smem:$0x3FB3] =	sst s5  }
0xe: {  	[smem:$0x3FB4] =	sst s6  }
0xf: {  	[smem:$0x3FB5] =	sst s7  }
0x10: {  	[smem:$0x3FB6] =	sst s8  }
0x11: {  	[smem:$0x3FB7] =	sst s9;
	s0 =	simm.s32 @!p0 $0x0  }
0x12: {  	s1 =	sld [smem:$0x3F9D];
	s0 =	simm.s32 @p0 $0x1  }
0x13: {  	[smem:$0x3FB8] =	sst s0;
	s0 =	simm.s32 @!p1 $0x0  }
0x14: {  	s2 =	sld [smem:$0x3F9C];
	s0 =	simm.s32 @p1 $0x1  }
0x15: {  	[smem:$0x3FB9] =	sst s0;
	s0 =	simm.s32 @!p2 $0x0  }
0x16: {  	s3 =	sld [smem:$0x3FDB];
	s0 =	simm.s32 @p2 $0x1  }
0x17: {  	s4 =	simm.s32 $0x1BF5;
	[smem:$0x3FBB] =	sst s0  }
0x18: {  	s0 =	sld [smem:$0x3F9E];
	_ =	swait.ge [sflag:s4], $0x0  }
0x19: {  	s7 =	sld [smem:$0x3F9F]  }
0x1a: {  	s8 =	sadd.s32 $0xFFFFE003, lr  }
0x1b: {  	s9 =	sadd.s32 $0xFFFFFEF7, lr;
	s5 =	simm.s32 $0xFFFFFFFF;
	p2 =	slt.u32 s8, $0xFFFFF086  }
0x1c: {  	p1 =	slt.u32 s9, $0xF7A;
	s5 =	simm.s32 @!p2 $0x0  }
0x1d: {  	s5 =	simm.s32 @p1 $0x1;
	p0 =	seq.s32 s7, s2  }
0x1e: {  	s7 =	smul.u32 @!p0 $0xF7A, s2;
	p2 =	seq.s32 @!p0 s5, $0x0  }
0x1f: {  	s9 =	smul.u32 $0xF7A, s1;
	s8 =	simm.s32 @!p0 $0x1BF5;
	p2 =	por !p2, p0  }
0x20: {  	[sflag:s8] =	ssyncset.s32 @!p0 $0xFFFFF086;
	s6 =	sadd.s32 @!p0 s3, s7;
	s7 =	simm.s32 @!p0 $0x108  }
0x21: {  	s3 =	sadd.s32 s3, s9;
	s6 =	sadd.s32 @!p0 $0x88, s6;
	s7 =	simm.s32 @p2 $0x1082  }
0x22: {  	[simem:s7], [sflag:s8] =	dma.local @!p0 [hbm:s6], $0xF7A  }
0x23: {  	s9 =	sor.u32 $0xD0000000, s2;
	s6 =	simm.s32 $0x108;
	_ =	swait.ge @!p0 [sflag:s8], $0x0  }
0x24: {  	s3 =	sadd.s32 $0x88, s3;
	s6 =	simm.s32 @!p1 $0x1082;
	[sflag:s4] =	ssyncset.s32 $0xFFFFF086  }
0x25: {  	[simem:s6], [sflag:s4] =	dma.local [hbm:s3], $0xF7A  }
0x26: {  	[smem:$0x3F9F] =	sst s1;
	(tag) =	ssettag s2;
	_ =	strace s9  }
0x27: {  	s1 =	sld [smem:$0x3FAF]  }
0x28: {  	s2 =	sld [smem:$0x3FB0]  }
0x29: {  	s4 =	sld [smem:$0x3FB2]  }
0x2a: {  	p0 =	seq.s32 s5, $0x0;
	s5 =	sld [smem:$0x3FB3]  }
0x2b: {  	s6 =	sld [smem:$0x3FB4]  }
0x2c: {  	s7 =	sld [smem:$0x3FB5]  }
0x2d: {  	s3 =	simm.s32 $0x108;
	s8 =	sld [smem:$0x3FB6]  }
0x2e: {  	s3 =	simm.s32 @!p0 $0x1082;
	s9 =	sld [smem:$0x3FB7]  }
0x2f: {  	lr =	sadd.s32 s0, s3;
	s0 =	sld [smem:$0x3FAE]  }
0x30: {  	s3 =	sld [smem:$0x3FB1]  }
0x31: {  	[smem:$0x3FBA] =	sst s10  }
0x32: {  	s10 =	sld [smem:$0x3FB8];
	_ =	sdelay $0x3  }
0x33: {  	p0 =	seq.s32 s10, $0x1;
	s10 =	sld [smem:$0x3FBA];
	_ =	sdelay $0x3  }
0x34: {  	[smem:$0x3FBA] =	sst s10  }
0x35: {  	s10 =	sld [smem:$0x3FB9];
	_ =	sdelay $0x3  }
0x36: {  	p1 =	seq.s32 s10, $0x1;
	s10 =	sld [smem:$0x3FBA];
	_ =	sdelay $0x3  }
0x37: {  	[smem:$0x3FBA] =	sst s10  }
0x38: {  	s10 =	sld [smem:$0x3FBB]  }
0x39: {  	_ = 	snop;
	(pc) =	sbr.ind lr, $3  }
0x3a: {  	_ = 	snop  }
0x3b: {  	_ = 	snop  }
0x3c: {  	p2 =	seq.s32 s10, $0x1;
	s10 =	sld [smem:$0x3FBA]  }
0x3d: {  	_ =	shalt  }
0x3e: {  	_ =	shalt  }
0x3f: {  	_ =	shalt  }
0x40: {  	_ =	shalt  }
0x41: {  	_ =	shalt  }
0x42: {  	_ =	shalt  }
0x43: {  	_ =	shalt  }
0x44: {  	_ =	shalt  }
0x45: {  	_ =	shalt  }
0x46: {  	_ =	shalt  }
0x47: {  	_ =	shalt  }
0x48: {  	_ =	shalt  }
0x49: {  	_ =	shalt  }
0x4a: {  	_ =	shalt  }
0x4b: {  	_ =	shalt  }
0x4c: {  	_ =	shalt  }
0x4d: {  	_ =	shalt  }
0x4e: {  	_ =	shalt  }
0x4f: {  	_ =	shalt  }
0x50: {  	_ =	shalt  }
0x51: {  	_ =	shalt  }
0x52: {  	_ =	shalt  }
0x53: {  	_ =	shalt  }
0x54: {  	_ =	shalt  }
0x55: {  	_ =	shalt  }
0x56: {  	_ =	shalt  }
0x57: {  	_ =	shalt  }
0x58: {  	_ =	shalt  }
0x59: {  	_ =	shalt  }
0x5a: {  	_ =	shalt  }
0x5b: {  	_ =	shalt  }
0x5c: {  	_ =	shalt  }
0x5d: {  	_ =	shalt  }
0x5e: {  	_ =	shalt  }
0x5f: {  	_ =	shalt  }
0x60: {  	_ =	shalt  }
0x61: {  	_ =	shalt  }
0x62: {  	_ =	shalt  }
0x63: {  	_ =	shalt  }
0x64: {  	_ =	shalt  }
0x65: {  	_ =	shalt  }
0x66: {  	_ =	shalt  }
0x67: {  	_ =	shalt  }
0x68: {  	_ =	shalt  }
0x69: {  	_ =	shalt  }
0x6a: {  	_ =	shalt  }
0x6b: {  	_ =	shalt  }
0x6c: {  	_ =	shalt  }
0x6d: {  	_ =	shalt  }
0x6e: {  	_ =	shalt  }
0x6f: {  	_ =	shalt  }
0x70: {  	_ =	shalt  }
0x71: {  	_ =	shalt  }
0x72: {  	_ =	shalt  }
0x73: {  	_ =	shalt  }
0x74: {  	_ =	shalt  }
0x75: {  	_ =	shalt  }
0x76: {  	_ =	shalt  }
0x77: {  	_ =	shalt  }
0x78: {  	_ =	shalt  }
0x79: {  	_ =	shalt  }
0x7a: {  	_ =	shalt  }
0x7b: {  	_ =	shalt  }
0x7c: {  	_ =	shalt  }
0x7d: {  	_ =	shalt  }
0x7e: {  	_ =	shalt  }
0x7f: {  	_ =	shalt  }
0x80: {  	_ =	shalt  }
0x81: {  	_ =	shalt  }
0x82: {  	_ =	shalt  }
0x83: {  	_ =	shalt  }
0x84: {  	_ =	shalt  }
0x85: {  	_ =	shalt  }
0x86: {  	_ =	shalt  }
0x87: {  	_ =	shalt  }
.Lfunc_end0:
.L_simem_size_0:
called_computation_lowered:
.L_overlay_start_0:
0x88: {  	s2 =	sld [smem:$0x3FD9]  }
0x89: {  	s3 =	sld [smem:$0x3FFE];
	_ =	sdelay $0x1  }
0x8a: {  	s1 =	srdreg.scid  }
0x8b: {  	s0 =	sand.u32 $0x1, s1  }
0x8c: {  	s18 =	sshll.u32 s0, $0xA;
	s2 =	sadd.s32 s3, s2  }
0x8d: {  	s2 =	sadd.s32 s2, s18  }
0x8e: {  	[smem:$0x3FC6] =	sst s2  }
0x8f: {  	_ = 	snop  }
0x90: {  	s2 =	sld [smem:$0x3FC9]  }
0x91: {  	s19 =	sld [smem:$0x3FC8]  }
0x92: {  	s4 =	sld [smem:$0x3FD0];
	(tm) =	ssettm $0x1  }
0x93: {  	s5 =	sld [smem:$0x3FFB];
	_ =	sdelay $0x3  }
0x94: {  	_ =	strace s5  }
0x95: {  	s5 =	sld [smem:$0x3FFC];
	_ =	sdelay $0x3  }
0x96: {  	_ =	strace s5  }
0x97: {  	s5 =	sld [smem:$0x3FFD];
	_ =	sdelay $0x3  }
0x98: {  	_ =	strace s5  }
0x99: {  	_ =	strace $0x8FFFFFFF  }
0x9a: {  	s20 =	sld [smem:$0x3FDB];
	_ =	sdelay $0x1  }
0x9b: {  	s6 =	simm.s32 $_scs_section_size  }
0x9c: {  	s7 =	simm.s32 $_size__tile_overlayer_lowered;
	s8 =	simm.s32 $_tile_overlayer_lowered  }
0x9d: {  	s23 =	simm.s32 $0x1BFF;
	s22 =	sshll.u32 s8, $0x1;
	s5 =	sadd.s32 s6, s20  }
0x9e: {  	s9 =	simm.s32 $0x0;
	s21 =	sshll.u32 s7, $0x1;
	s7 =	sadd.s32 s22, s5  }
0x9f: {  	[timem:s9], [sflag:s23] =	dma.local [hbm:s7], s21  }
0xa0: {  	_ =	swait.ge [sflag:s23], s21  }
0xa1: {  	s6 =	ssub.s32 $0x0, s21;
	[sflag:s23] =	ssyncset.done $0x0  }
0xa2: {  	[sflag:s23] =	ssyncadd.s32 s6;
	_ =	sdelay $0x1  }
0xa3: {  	s24 =	simm.s32 $0x1B8B  }
0xa4: {  	_ =	swait.ge [sflag:s24], $0x1  }
0xa5: {  	[sflag:s24] =	ssyncset.done $0x0  }
0xa6: {  	s25 =	simm.s32 $0x1B8E;
	[sflag:s24] =	ssyncadd.s32 $0xFFFFFFFF  }
0xa7: {  	s26 =	simm.s32 $execute0_lowered;
	[smem:$0x3FD2] =	sst s25  }
0xa8: {  	s6 =	sshll.u32 s26, $0x1;
	_ =	strace $0x80000046;
	[dreg:$0x1] =	wrdreg $0xFFFFFFFF  }
0xa9: {  	s28 =	simm.s32 $_size_execute0_lowered;
	s5 =	sadd.s32 s5, s6;
	[dreg:$0x0] =	wrdreg $0x0  }
0xaa: {  	s6 =	sshll.u32 s28, $0x1;
	[dreg:$0x2] =	wrdreg s5  }
0xab: {  	[dreg:$0x3] =	wrdreg s6  }
0xac: {  	[dreg:$0x4] =	wrdreg $0xC0  }
0xad: {  	_ =	task [dreg:s9], $0x5FFFF  }
0xae: {  	[dreg:$0x1] =	wrdreg $0xFFFFFFFF  }
0xaf: {  	[dreg:$0x0] =	wrdreg $0x60  }
0xb0: {  	[dreg:$0x2] =	wrdreg s19  }
0xb1: {  	[dreg:$0x3] =	wrdreg s2  }
0xb2: {  	[dreg:$0x4] =	wrdreg s4  }
0xb3: {  	[dreg:$0x5] =	wrdreg $0x0  }
0xb4: {  	[dreg:$0x6] =	wrdreg $0x9  }
0xb5: {  	_ =	task.clear_ibuf [dreg:s9], $0x7FFFF;
	_ =	strace $0x90000046  }
0xb6: {  	s29 =	simm.s32 $0x9;
	_ =	strace $0x80000048  }
0xb7: {  	_ =	swait.ge [sflag:s29], $0x1  }
0xb8: {  	[sflag:s29] =	ssyncadd.s32 $0xFFFFFFFF  }
0xb9: {  	_ =	strace $0x90000048  }
0xba: {  	_ =	sfence  }
0xbb: {  	s30 =	sld [smem:$0x0];
	_ =	sdelay $0x2  }
0xbc: {  	s31 =	sshll.u32 s1, $0xD;
	s1 =	sshrl.u32 s1, $0x2  }
0xbd: {  	s3 =	sand.u32 $0x4000, s31;
	s1 =	sadd.s32 s1, s30  }
0xbe: {  	s0 =	sor.u32 s3, s0;
	s1 =	sshll.u32 s1, $0x11  }
0xbf: {  	s0 =	sor.u32 s1, s0  }
0xc0: {  	s0 =	sadd.s32 $0x8F2B, s0  }
0xc1: {  	[sflag:s0] =	ssyncadd.remote.s32 $0x1  }
0xc2: {  	_ =	sfence.sel $0xFFFF  }
0xc3: {  	[dreg:$0x0] =	wrdreg $0xFFFFFFFF;
	(pc) =	sbr.abs _section_cstart, $3  }
0xc4: {  	[dreg:$0x1] =	wrdreg $0xFFFFFFFF  }
0xc5: {  	_ =	task.clear_ibuf [dreg:s9], $0x2FFFF;
	_ =	strace $0x9FFFFFFF  }
0xc6: {  	(tm) =	ssettm $0x7FFFFFFF  }
0xc7: {  	_ =	shalt  }
tec
execute0_lowered:
.L_overlay_start_1:
0x0: {  	(tag) =	ssettag $0x1  }
0x1: {  	s0 =	rddreg [dreg:$0x0]  }
0x2: {  	s1 =	rddreg [dreg:$0x2]  }
0x3: {  	s2 =	srdreg.scid;
	s3 =	stileid.u32;
	s28 =	simm.s32 $0x4400  }
0x4: {  	s29 =	simm.s32 $0x2;
	s30 =	simm.s32 $0x1;
	s31 =	simm.s32 $0x1CB00  }
0x5: {  	s2 =	sand.u32 $0x1, s2;
	s4 =	smul.u32 $0xC3800, s3;
	s17 =	sshll.u32 s3, $0x11  }
0x6: {  	s20 =	sadd.s32 $0x1000, s1;
	s5 =	sshll.u32 s2, $0x9;
	s2 =	ssub.s32 $0x2, s2  }
0x7: {  	p0 =	sne.s32 s3, $0x0;
	s6 =	sor.u32 s5, s4;
	s7 =	sshrl.u32 s2, $0x1  }
0x8: {  	s8 =	sor.u32 s5, s17;
	s25 =	sor.u32 $0x80, s5;
	s13 =	sor.u32 $0x100, s5  }
0x9: {  	s5 =	sor.u32 $0x180, s5;
	s6 =	sshrl.u32 s6, $0x3;
	s2 =	ssub.s32 s2, s7  }
0xa: {  	s21 =	sshrl.u32 s8, $0x3;
	s9 =	sor.u32 s4, s25;
	s8 =	sor.u32 s17, s25  }
0xb: {  	s14 =	sor.u32 s4, s13;
	s13 =	sor.u32 s17, s13;
	s4 =	sor.u32 s4, s5  }
0xc: {  	s26 =	sor.u32 s17, s5;
	s25 =	simm.s32 $0x400;
	s6 =	sadd.s32 s0, s6  }
0xd: {  	s22 =	sadd.s32 s1, s21;
	s23 =	sadd.s32 s21, s20;
	s9 =	sshrl.u32 s9, $0x3  }
0xe: {  	s12 =	sshrl.u32 s8, $0x3;
	s14 =	sshrl.u32 s14, $0x3;
	[dreg:$0x5] =	wrdreg s6  }
0xf: {  	s18 =	sshrl.u32 s13, $0x3;
	s4 =	sshrl.u32 s4, $0x3;
	[dreg:$0x6] =	wrdreg s22  }
0x10: {  	s22 =	sadd.s32 $0x2000, s1;
	[dreg:$0x7] =	wrdreg s23;
	s23 =	sadd.s32 $0x3000, s1  }
0x11: {  	s8 =	sadd.s32 s0, s9;
	s9 =	sadd.s32 s1, s12;
	s10 =	sadd.s32 s12, s20  }
0x12: {  	s13 =	sadd.s32 s0, s14;
	s14 =	sadd.s32 s1, s18;
	s15 =	sadd.s32 s0, s4  }
0x13: {  	s16 =	sadd.s32 s18, s20;
	s0 =	sshrl.u32 s26, $0x3;
	s26 =	simm.s32 $0x80  }
0x14: {  	s24 =	sadd.s32 s21, s22;
	s7 =	sadd.s32 s21, s23;
	s11 =	sadd.s32 s12, s22  }
0x15: {  	s12 =	sadd.s32 s12, s23;
	s17 =	sadd.s32 s18, s22;
	s18 =	sadd.s32 s18, s23  }
0x16: {  	s19 =	sadd.s32 s1, s0;
	s20 =	sadd.s32 s0, s20;
	s21 =	simm.s32 $0x0  }
0x17: {  	s22 =	sadd.s32 s0, s22;
	s23 =	sadd.s32 s0, s23;
	[dreg:$0x8] =	wrdreg s24  }
0x18: {  	s1 =	simm.s32 $0x1DB00;
	s0 =	simm.s32 $0x3;
	[smem:$0x7FF] =	sst s21  }
0x19: {  	s24 =	smax.u32 s2, $0x1;
	s2 =	simm.s32 $0x4;
	_ =	strace $0x80000047  }
.LBB2_1:
0x1a: {  	s6 =	rddreg [dreg:$0x3]  }
0x1b: {  	s4 =	simm.s32 @!p0 $0x1C05;
	s5 =	rddreg [dreg:$0x1];
	s3 =	sshrl.u32 @!p0 s6, $0x3  }
0x1c: {  	[spmem:s3], [sflag:s4] =	dma.local @!p0 [hbm:s5], $0x800  }
0x1d: {  	s3 =	simm.s32 @!p0 $0x5  }
0x1e: {  	_ =	swait.ge @!p0 [sflag:s3], $0x800  }
0x1f: {  	[sflag:s3] =	ssyncset.done @!p0 $0x0  }
0x20: {  	[sflag:s3] =	ssyncadd.s32 @!p0 $0xFFFFF800  }
0x21: {  	[bflag:$0x0] =	sbarrier.arrive $0xFFFF  }
0x22: {  	[tilespmem:s25], [sflag:$0x1] =	stream.linear.gather [spmem:s6], $0x4000, $0x38;
	[tilespmem:$0x1EB00] =	vst v63  }
0x23: {  	s5 =	rddreg [dreg:$0x5]  }
0x24: {  	[tilespmem:s28], [sflag:$0x2] =	stream.strided.gather [hbm4b:s5+s26], $0x18700, s25, s26, $0x38;
	[tilespmem:$0x1EB00] =	vst v63  }
0x25: {  	_ =	swait.ge [sflag:s29], $0x18700  }
0x26: {  	[sflag:s29] =	ssyncset.done $0x0  }
0x27: {  	[sflag:s29] =	ssyncadd.s32 $0xFFFE7900  }
0x28: {  	_ =	swait.ge [sflag:s30], $0x4000  }
0x29: {  	[sflag:s30] =	ssyncset.done $0x0  }
0x2a: {  	s6 =	simm.s32 $0x440;
	[sflag:s30] =	ssyncadd.s32 $0xFFFFC000  }
0x2b: {  	v0 =	vld [tilespmem:s6+$0x30]  }
0x2c: {  	v1 =	vld [tilespmem:s6+$0xFFFFFFD0]  }
0x2d: {  	v2 =	vld [tilespmem:s6+$0xFFFFFFE0]  }
0x2e: {  	v3 =	vld [tilespmem:s6+$0xFFFFFFF0]  }
0x2f: {  	v4 =	vld [tilespmem:s6+$0x0]  }
0x30: {  	v6 =	vld [tilespmem:s6+$0x10]  }
0x31: {  	v7 =	vld [tilespmem:s6+$0x20]  }
0x32: {  	v8 =	vld [tilespmem:s6+$0xFFFFFFC0]  }
0x33: {  	v9 =	vld.idx.msk [tilespmem:v0+s28+$0x0], $0xffff  }
0x34: {  	v10 =	vld.idx.msk [tilespmem:v1+s28+$0x0], $0xffff  }
0x35: {  	v5 =	vld.idx.msk [tilespmem:v2+s28+$0x0], $0xffff  }
0x36: {  	v3 =	vld.idx.msk [tilespmem:v3+s28+$0x0], $0xffff  }
0x37: {  	v0 =	vld.idx.msk [tilespmem:v4+s28+$0x0], $0xffff  }
0x38: {  	s3 =	simm.s32 $0x1CB40;
	v1 =	vld.idx.msk [tilespmem:v6+s28+$0x0], $0xffff  }
0x39: {  	v2 =	vld.idx.msk [tilespmem:v7+s28+$0x0], $0xffff;
	[tilespmem:s3+$0x30] =	vst v9  }
0x3a: {  	s4 =	simm.s32 $0x0;
	s5 =	simm.s32 $0x4C0;
	v4 =	vld.idx.msk [tilespmem:v8+s28+$0x0], $0xffff;
	[tilespmem:s3+$0xFFFFFFD0] =	vst v10  }
.LBB2_2:
0x3b: {  	v6 =	vld [tilespmem:s5+$0x30];
	s4 =	sadd.s32 $0x80, s4;
	[tilespmem:s3+$0xFFFFFFE0] =	vst v5  }
0x3c: {  	v5 =	vld [tilespmem:s5+$0xFFFFFFD0];
	p1 =	slt.u32 s4, $0xF80;
	[tilespmem:s3+$0xFFFFFFF0] =	vst v3  }
0x3d: {  	v3 =	vld [tilespmem:s5+$0xFFFFFFE0];
	[tilespmem:s3+$0x0] =	vst v0  }
0x3e: {  	v0 =	vld [tilespmem:s5+$0xFFFFFFF0];
	[tilespmem:s3+$0x10] =	vst v1  }
0x3f: {  	v1 =	vld [tilespmem:s5+$0x0];
	[tilespmem:s3+$0x20] =	vst v2  }
0x40: {  	v2 =	vld [tilespmem:s5+$0x10];
	[tilespmem:s3+$0xFFFFFFC0] =	vst v4  }
0x41: {  	v4 =	vld [tilespmem:s5+$0x20]  }
0x42: {  	v7 =	vld [tilespmem:s5+$0xFFFFFFC0]  }
0x43: {  	v6 =	vld.idx.msk [tilespmem:v6+s28+$0x0], $0xffff  }
0x44: {  	v8 =	vld.idx.msk [tilespmem:v5+s28+$0x0], $0xffff  }
0x45: {  	v5 =	vld.idx.msk [tilespmem:v3+s28+$0x0], $0xffff  }
.Ltmp0:
0x46: {  	v3 =	vld.idx.msk [tilespmem:v0+s28+$0x0], $0xffff;
	(pc) =	sbr.rel @p1 .LBB2_2-.Ltmp0, $4  }
0x47: {  	v0 =	vld.idx.msk [tilespmem:v1+s28+$0x0], $0xffff  }
0x48: {  	s3 =	sadd.s32 $0x80, s3;
	v1 =	vld.idx.msk [tilespmem:v2+s28+$0x0], $0xffff  }
0x49: {  	v2 =	vld.idx.msk [tilespmem:v4+s28+$0x0], $0xffff;
	[tilespmem:s3+$0x30] =	vst v6  }
0x4a: {  	s5 =	sadd.s32 $0x80, s5;
	v4 =	vld.idx.msk [tilespmem:v7+s28+$0x0], $0xffff;
	[tilespmem:s3+$0xFFFFFFD0] =	vst v8  }
0x4b: {  	[tilespmem:s3+$0xFFFFFFE0] =	vst v5  }
0x4c: {  	[tilespmem:s3+$0xFFFFFFF0] =	vst v3  }
0x4d: {  	[tilespmem:s3+$0x0] =	vst v0  }
0x4e: {  	[tilespmem:s3+$0x10] =	vst v1  }
0x4f: {  	[tilespmem:s3+$0x20] =	vst v2  }
0x50: {  	[tilespmem:s3+$0xFFFFFFC0] =	vst v4  }
0x51: {  	s6 =	simm.s32 $0x1470;
	s3 =	rddreg [dreg:$0x6]  }
0x52: {  	[hbm4b:s3+s26] =	stream.strided.scatter [tilespmem:s31], [sflag:$0x3], $0x1000, s25, s26, $0x38;
	[tilespmem:$0x1EB00] =	vst v63  }
0x53: {  	v0 =	vld [tilespmem:s6+$0x0]  }
0x54: {  	v1 =	vld [tilespmem:s6+$0xFFFFFFA0]  }
0x55: {  	v2 =	vld [tilespmem:s6+$0xFFFFFFB0]  }
0x56: {  	v3 =	vld [tilespmem:s6+$0xFFFFFFC0]  }
0x57: {  	v4 =	vld [tilespmem:s6+$0xFFFFFFD0]  }
0x58: {  	v6 =	vld [tilespmem:s6+$0xFFFFFFE0]  }
0x59: {  	v7 =	vld [tilespmem:s6+$0xFFFFFFF0]  }
0x5a: {  	v8 =	vld [tilespmem:s6+$0xFFFFFF90]  }
0x5b: {  	v9 =	vld.idx.msk [tilespmem:v0+s28+$0x0], $0xffff  }
0x5c: {  	v10 =	vld.idx.msk [tilespmem:v1+s28+$0x0], $0xffff  }
0x5d: {  	v5 =	vld.idx.msk [tilespmem:v2+s28+$0x0], $0xffff  }
0x5e: {  	v3 =	vld.idx.msk [tilespmem:v3+s28+$0x0], $0xffff  }
0x5f: {  	v0 =	vld.idx.msk [tilespmem:v4+s28+$0x0], $0xffff  }
0x60: {  	s3 =	simm.s32 $0x1DB40;
	v1 =	vld.idx.msk [tilespmem:v6+s28+$0x0], $0xffff  }
0x61: {  	v2 =	vld.idx.msk [tilespmem:v7+s28+$0x0], $0xffff;
	[tilespmem:s3+$0x30] =	vst v9  }
0x62: {  	s4 =	simm.s32 $0x0;
	s5 =	simm.s32 $0x14F0;
	v4 =	vld.idx.msk [tilespmem:v8+s28+$0x0], $0xffff;
	[tilespmem:s3+$0xFFFFFFD0] =	vst v10  }
.LBB2_4:
0x63: {  	v6 =	vld [tilespmem:s5+$0x0];
	s4 =	sadd.s32 $0x80, s4;
	[tilespmem:s3+$0xFFFFFFE0] =	vst v5  }
0x64: {  	v5 =	vld [tilespmem:s5+$0xFFFFFFA0];
	p1 =	slt.u32 s4, $0xF80;
	[tilespmem:s3+$0xFFFFFFF0] =	vst v3  }
0x65: {  	v3 =	vld [tilespmem:s5+$0xFFFFFFB0];
	[tilespmem:s3+$0x0] =	vst v0  }
0x66: {  	v0 =	vld [tilespmem:s5+$0xFFFFFFC0];
	[tilespmem:s3+$0x10] =	vst v1  }
0x67: {  	v1 =	vld [tilespmem:s5+$0xFFFFFFD0];
	[tilespmem:s3+$0x20] =	vst v2  }
0x68: {  	v2 =	vld [tilespmem:s5+$0xFFFFFFE0];
	[tilespmem:s3+$0xFFFFFFC0] =	vst v4  }
0x69: {  	v4 =	vld [tilespmem:s5+$0xFFFFFFF0]  }
0x6a: {  	v7 =	vld [tilespmem:s5+$0xFFFFFF90]  }
0x6b: {  	v6 =	vld.idx.msk [tilespmem:v6+s28+$0x0], $0xffff  }
0x6c: {  	v8 =	vld.idx.msk [tilespmem:v5+s28+$0x0], $0xffff  }
0x6d: {  	v5 =	vld.idx.msk [tilespmem:v3+s28+$0x0], $0xffff  }
.Ltmp1:
0x6e: {  	v3 =	vld.idx.msk [tilespmem:v0+s28+$0x0], $0xffff;
	(pc) =	sbr.rel @p1 .LBB2_4-.Ltmp1, $4  }
0x6f: {  	v0 =	vld.idx.msk [tilespmem:v1+s28+$0x0], $0xffff  }
0x70: {  	s3 =	sadd.s32 $0x80, s3;
	v1 =	vld.idx.msk [tilespmem:v2+s28+$0x0], $0xffff  }
0x71: {  	v2 =	vld.idx.msk [tilespmem:v4+s28+$0x0], $0xffff;
	[tilespmem:s3+$0x30] =	vst v6  }
0x72: {  	s5 =	sadd.s32 $0x80, s5;
	v4 =	vld.idx.msk [tilespmem:v7+s28+$0x0], $0xffff;
	[tilespmem:s3+$0xFFFFFFD0] =	vst v8  }
0x73: {  	[tilespmem:s3+$0xFFFFFFE0] =	vst v5  }
0x74: {  	[tilespmem:s3+$0xFFFFFFF0] =	vst v3  }
0x75: {  	[tilespmem:s3+$0x0] =	vst v0  }
0x76: {  	[tilespmem:s3+$0x10] =	vst v1  }
0x77: {  	[tilespmem:s3+$0x20] =	vst v2  }
0x78: {  	[tilespmem:s3+$0xFFFFFFC0] =	vst v4  }
0x79: {  	s3 =	rddreg [dreg:$0x7]  }
0x7a: {  	[hbm4b:s3+s26] =	stream.strided.scatter [tilespmem:s1], [sflag:$0x4], $0x1000, s25, s26, $0x38;
	[tilespmem:$0x1EB00] =	vst v63  }
0x7b: {  	_ =	swait.ge [sflag:s0], $0x1000  }
0x7c: {  	[sflag:s0] =	ssyncset.done $0x0  }
0x7d: {  	s6 =	simm.s32 $0x2470;
	[sflag:s0] =	ssyncadd.s32 $0xFFFFF000  }
0x7e: {  	v0 =	vld [tilespmem:s6+$0x0]  }
0x7f: {  	v1 =	vld [tilespmem:s6+$0xFFFFFFA0]  }
0x80: {  	v2 =	vld [tilespmem:s6+$0xFFFFFFB0]  }
0x81: {  	v3 =	vld [tilespmem:s6+$0xFFFFFFC0]  }
0x82: {  	v4 =	vld [tilespmem:s6+$0xFFFFFFD0]  }
0x83: {  	v6 =	vld [tilespmem:s6+$0xFFFFFFE0]  }
0x84: {  	v7 =	vld [tilespmem:s6+$0xFFFFFFF0]  }
0x85: {  	v8 =	vld [tilespmem:s6+$0xFFFFFF90]  }
0x86: {  	v9 =	vld.idx.msk [tilespmem:v0+s28+$0x0], $0xffff  }
0x87: {  	v10 =	vld.idx.msk [tilespmem:v1+s28+$0x0], $0xffff  }
0x88: {  	v5 =	vld.idx.msk [tilespmem:v2+s28+$0x0], $0xffff  }
0x89: {  	v3 =	vld.idx.msk [tilespmem:v3+s28+$0x0], $0xffff  }
0x8a: {  	v0 =	vld.idx.msk [tilespmem:v4+s28+$0x0], $0xffff  }
0x8b: {  	s3 =	simm.s32 $0x1CB40;
	v1 =	vld.idx.msk [tilespmem:v6+s28+$0x0], $0xffff  }
0x8c: {  	v2 =	vld.idx.msk [tilespmem:v7+s28+$0x0], $0xffff;
	[tilespmem:s3+$0x30] =	vst v9  }
0x8d: {  	s4 =	simm.s32 $0x0;
	s5 =	simm.s32 $0x24F0;
	v4 =	vld.idx.msk [tilespmem:v8+s28+$0x0], $0xffff;
	[tilespmem:s3+$0xFFFFFFD0] =	vst v10  }
.LBB2_6:
0x8e: {  	v6 =	vld [tilespmem:s5+$0x0];
	s4 =	sadd.s32 $0x80, s4;
	[tilespmem:s3+$0xFFFFFFE0] =	vst v5  }
0x8f: {  	v5 =	vld [tilespmem:s5+$0xFFFFFFA0];
	p1 =	slt.u32 s4, $0xF80;
	[tilespmem:s3+$0xFFFFFFF0] =	vst v3  }
0x90: {  	v3 =	vld [tilespmem:s5+$0xFFFFFFB0];
	[tilespmem:s3+$0x0] =	vst v0  }
0x91: {  	v0 =	vld [tilespmem:s5+$0xFFFFFFC0];
	[tilespmem:s3+$0x10] =	vst v1  }
0x92: {  	v1 =	vld [tilespmem:s5+$0xFFFFFFD0];
	[tilespmem:s3+$0x20] =	vst v2  }
0x93: {  	v2 =	vld [tilespmem:s5+$0xFFFFFFE0];
	[tilespmem:s3+$0xFFFFFFC0] =	vst v4  }
0x94: {  	v4 =	vld [tilespmem:s5+$0xFFFFFFF0]  }
0x95: {  	v7 =	vld [tilespmem:s5+$0xFFFFFF90]  }
0x96: {  	v6 =	vld.idx.msk [tilespmem:v6+s28+$0x0], $0xffff  }
0x97: {  	v8 =	vld.idx.msk [tilespmem:v5+s28+$0x0], $0xffff  }
0x98: {  	v5 =	vld.idx.msk [tilespmem:v3+s28+$0x0], $0xffff  }
.Ltmp2:
0x99: {  	v3 =	vld.idx.msk [tilespmem:v0+s28+$0x0], $0xffff;
	(pc) =	sbr.rel @p1 .LBB2_6-.Ltmp2, $4  }
0x9a: {  	v0 =	vld.idx.msk [tilespmem:v1+s28+$0x0], $0xffff  }
0x9b: {  	s3 =	sadd.s32 $0x80, s3;
	v1 =	vld.idx.msk [tilespmem:v2+s28+$0x0], $0xffff  }
0x9c: {  	v2 =	vld.idx.msk [tilespmem:v4+s28+$0x0], $0xffff;
	[tilespmem:s3+$0x30] =	vst v6  }
0x9d: {  	s5 =	sadd.s32 $0x80, s5;
	v4 =	vld.idx.msk [tilespmem:v7+s28+$0x0], $0xffff;
	[tilespmem:s3+$0xFFFFFFD0] =	vst v8  }
0x9e: {  	[tilespmem:s3+$0xFFFFFFE0] =	vst v5  }
0x9f: {  	[tilespmem:s3+$0xFFFFFFF0] =	vst v3  }
0xa0: {  	[tilespmem:s3+$0x0] =	vst v0  }
0xa1: {  	[tilespmem:s3+$0x10] =	vst v1  }
0xa2: {  	[tilespmem:s3+$0x20] =	vst v2  }
0xa3: {  	[tilespmem:s3+$0xFFFFFFC0] =	vst v4  }
0xa4: {  	s3 =	rddreg [dreg:$0x8]  }
0xa5: {  	[hbm4b:s3+s26] =	stream.strided.scatter [tilespmem:s31], [sflag:$0x3], $0x1000, s25, s26, $0x38;
	[tilespmem:$0x1EB00] =	vst v63  }
0xa6: {  	_ =	swait.ge [sflag:s2], $0x1000  }
0xa7: {  	[sflag:s2] =	ssyncset.done $0x0  }
0xa8: {  	s6 =	simm.s32 $0x3470;
	[sflag:s2] =	ssyncadd.s32 $0xFFFFF000  }
0xa9: {  	v0 =	vld [tilespmem:s6+$0x0]  }
0xaa: {  	v1 =	vld [tilespmem:s6+$0xFFFFFFA0]  }
0xab: {  	v2 =	vld [tilespmem:s6+$0xFFFFFFB0]  }
0xac: {  	v3 =	vld [tilespmem:s6+$0xFFFFFFC0]  }
0xad: {  	v4 =	vld [tilespmem:s6+$0xFFFFFFD0]  }
0xae: {  	v6 =	vld [tilespmem:s6+$0xFFFFFFE0]  }
0xaf: {  	v7 =	vld [tilespmem:s6+$0xFFFFFFF0]  }
0xb0: {  	v8 =	vld [tilespmem:s6+$0xFFFFFF90]  }
0xb1: {  	v9 =	vld.idx.msk [tilespmem:v0+s28+$0x0], $0xffff  }
0xb2: {  	v10 =	vld.idx.msk [tilespmem:v1+s28+$0x0], $0xffff  }
0xb3: {  	v5 =	vld.idx.msk [tilespmem:v2+s28+$0x0], $0xffff  }
0xb4: {  	v3 =	vld.idx.msk [tilespmem:v3+s28+$0x0], $0xffff  }
0xb5: {  	v0 =	vld.idx.msk [tilespmem:v4+s28+$0x0], $0xffff  }
0xb6: {  	s3 =	simm.s32 $0x1DB40;
	v1 =	vld.idx.msk [tilespmem:v6+s28+$0x0], $0xffff  }
0xb7: {  	v2 =	vld.idx.msk [tilespmem:v7+s28+$0x0], $0xffff;
	[tilespmem:s3+$0x30] =	vst v9  }
0xb8: {  	s4 =	simm.s32 $0x0;
	s5 =	simm.s32 $0x34F0;
	v4 =	vld.idx.msk [tilespmem:v8+s28+$0x0], $0xffff;
	[tilespmem:s3+$0xFFFFFFD0] =	vst v10  }
.LBB2_8:
0xb9: {  	v6 =	vld [tilespmem:s5+$0x0];
	s4 =	sadd.s32 $0x80, s4;
	[tilespmem:s3+$0xFFFFFFE0] =	vst v5  }
0xba: {  	v5 =	vld [tilespmem:s5+$0xFFFFFFA0];
	p1 =	slt.u32 s4, $0xF80;
	[tilespmem:s3+$0xFFFFFFF0] =	vst v3  }
0xbb: {  	v3 =	vld [tilespmem:s5+$0xFFFFFFB0];
	[tilespmem:s3+$0x0] =	vst v0  }
0xbc: {  	v0 =	vld [tilespmem:s5+$0xFFFFFFC0];
	[tilespmem:s3+$0x10] =	vst v1  }
0xbd: {  	v1 =	vld [tilespmem:s5+$0xFFFFFFD0];
	[tilespmem:s3+$0x20] =	vst v2  }
0xbe: {  	v2 =	vld [tilespmem:s5+$0xFFFFFFE0];
	[tilespmem:s3+$0xFFFFFFC0] =	vst v4  }
0xbf: {  	v4 =	vld [tilespmem:s5+$0xFFFFFFF0]  }
0xc0: {  	v7 =	vld [tilespmem:s5+$0xFFFFFF90]  }
0xc1: {  	v6 =	vld.idx.msk [tilespmem:v6+s28+$0x0], $0xffff  }
0xc2: {  	v8 =	vld.idx.msk [tilespmem:v5+s28+$0x0], $0xffff  }
0xc3: {  	v5 =	vld.idx.msk [tilespmem:v3+s28+$0x0], $0xffff  }
.Ltmp3:
0xc4: {  	v3 =	vld.idx.msk [tilespmem:v0+s28+$0x0], $0xffff;
	(pc) =	sbr.rel @p1 .LBB2_8-.Ltmp3, $4  }
0xc5: {  	v0 =	vld.idx.msk [tilespmem:v1+s28+$0x0], $0xffff  }
0xc6: {  	s3 =	sadd.s32 $0x80, s3;
	v1 =	vld.idx.msk [tilespmem:v2+s28+$0x0], $0xffff  }
0xc7: {  	v2 =	vld.idx.msk [tilespmem:v4+s28+$0x0], $0xffff;
	[tilespmem:s3+$0x30] =	vst v6  }
0xc8: {  	s5 =	sadd.s32 $0x80, s5;
	v4 =	vld.idx.msk [tilespmem:v7+s28+$0x0], $0xffff;
	[tilespmem:s3+$0xFFFFFFD0] =	vst v8  }
0xc9: {  	[tilespmem:s3+$0xFFFFFFE0] =	vst v5  }
0xca: {  	[tilespmem:s3+$0xFFFFFFF0] =	vst v3  }
0xcb: {  	[tilespmem:s3+$0x0] =	vst v0  }
0xcc: {  	[tilespmem:s3+$0x10] =	vst v1  }
0xcd: {  	[tilespmem:s3+$0x20] =	vst v2  }
0xce: {  	[tilespmem:s3+$0xFFFFFFC0] =	vst v4  }
0xcf: {  	[hbm4b:s7+s26] =	stream.strided.scatter [tilespmem:s1], [sflag:$0x4], $0x1000, s25, s26, $0x38;
	[tilespmem:$0x1EB00] =	vst v63  }
0xd0: {  	_ = 	snop  }
0xd1: {  	[tilespmem:s28], [sflag:$0x2] =	stream.strided.gather [hbm4b:s8+s26], $0x18700, s25, s26, $0x38;
	[tilespmem:$0x1EB00] =	vst v63  }
0xd2: {  	_ =	swait.ge [sflag:s29], $0x18700  }
0xd3: {  	[sflag:s29] =	ssyncset.done $0x0  }
0xd4: {  	[sflag:s29] =	ssyncadd.s32 $0xFFFE7900  }
0xd5: {  	_ =	swait.ge [sflag:s0], $0x1000  }
0xd6: {  	[sflag:s0] =	ssyncset.done $0x0  }
0xd7: {  	s6 =	simm.s32 $0x440;
	[sflag:s0] =	ssyncadd.s32 $0xFFFFF000  }
0xd8: {  	v0 =	vld [tilespmem:s6+$0x30]  }
0xd9: {  	v1 =	vld [tilespmem:s6+$0xFFFFFFD0]  }
0xda: {  	v2 =	vld [tilespmem:s6+$0xFFFFFFE0]  }
0xdb: {  	v3 =	vld [tilespmem:s6+$0xFFFFFFF0]  }
0xdc: {  	v4 =	vld [tilespmem:s6+$0x0]  }
0xdd: {  	v6 =	vld [tilespmem:s6+$0x10]  }
0xde: {  	v7 =	vld [tilespmem:s6+$0x20]  }
0xdf: {  	v8 =	vld [tilespmem:s6+$0xFFFFFFC0]  }
0xe0: {  	v9 =	vld.idx.msk [tilespmem:v0+s28+$0x0], $0xffff  }
0xe1: {  	v10 =	vld.idx.msk [tilespmem:v1+s28+$0x0], $0xffff  }
0xe2: {  	v5 =	vld.idx.msk [tilespmem:v2+s28+$0x0], $0xffff  }
0xe3: {  	v3 =	vld.idx.msk [tilespmem:v3+s28+$0x0], $0xffff  }
0xe4: {  	v0 =	vld.idx.msk [tilespmem:v4+s28+$0x0], $0xffff  }
0xe5: {  	s3 =	simm.s32 $0x1CB40;
	v1 =	vld.idx.msk [tilespmem:v6+s28+$0x0], $0xffff  }
0xe6: {  	v2 =	vld.idx.msk [tilespmem:v7+s28+$0x0], $0xffff;
	[tilespmem:s3+$0x30] =	vst v9  }
0xe7: {  	s4 =	simm.s32 $0x0;
	s5 =	simm.s32 $0x4C0;
	v4 =	vld.idx.msk [tilespmem:v8+s28+$0x0], $0xffff;
	[tilespmem:s3+$0xFFFFFFD0] =	vst v10  }
.LBB2_10:
0xe8: {  	v6 =	vld [tilespmem:s5+$0x30];
	s4 =	sadd.s32 $0x80, s4;
	[tilespmem:s3+$0xFFFFFFE0] =	vst v5  }
0xe9: {  	v5 =	vld [tilespmem:s5+$0xFFFFFFD0];
	p1 =	slt.u32 s4, $0xF80;
	[tilespmem:s3+$0xFFFFFFF0] =	vst v3  }
0xea: {  	v3 =	vld [tilespmem:s5+$0xFFFFFFE0];
	[tilespmem:s3+$0x0] =	vst v0  }
0xeb: {  	v0 =	vld [tilespmem:s5+$0xFFFFFFF0];
	[tilespmem:s3+$0x10] =	vst v1  }
0xec: {  	v1 =	vld [tilespmem:s5+$0x0];
	[tilespmem:s3+$0x20] =	vst v2  }
0xed: {  	v2 =	vld [tilespmem:s5+$0x10];
	[tilespmem:s3+$0xFFFFFFC0] =	vst v4  }
0xee: {  	v4 =	vld [tilespmem:s5+$0x20]  }
0xef: {  	v7 =	vld [tilespmem:s5+$0xFFFFFFC0]  }
0xf0: {  	v6 =	vld.idx.msk [tilespmem:v6+s28+$0x0], $0xffff  }
0xf1: {  	v8 =	vld.idx.msk [tilespmem:v5+s28+$0x0], $0xffff  }
0xf2: {  	v5 =	vld.idx.msk [tilespmem:v3+s28+$0x0], $0xffff  }
.Ltmp4:
0xf3: {  	v3 =	vld.idx.msk [tilespmem:v0+s28+$0x0], $0xffff;
	(pc) =	sbr.rel @p1 .LBB2_10-.Ltmp4, $4  }
0xf4: {  	v0 =	vld.idx.msk [tilespmem:v1+s28+$0x0], $0xffff  }
0xf5: {  	s3 =	sadd.s32 $0x80, s3;
	v1 =	vld.idx.msk [tilespmem:v2+s28+$0x0], $0xffff  }
0xf6: {  	v2 =	vld.idx.msk [tilespmem:v4+s28+$0x0], $0xffff;
	[tilespmem:s3+$0x30] =	vst v6  }
0xf7: {  	s5 =	sadd.s32 $0x80, s5;
	v4 =	vld.idx.msk [tilespmem:v7+s28+$0x0], $0xffff;
	[tilespmem:s3+$0xFFFFFFD0] =	vst v8  }
0xf8: {  	[tilespmem:s3+$0xFFFFFFE0] =	vst v5  }
0xf9: {  	[tilespmem:s3+$0xFFFFFFF0] =	vst v3  }
0xfa: {  	[tilespmem:s3+$0x0] =	vst v0  }
0xfb: {  	[tilespmem:s3+$0x10] =	vst v1  }
0xfc: {  	[tilespmem:s3+$0x20] =	vst v2  }
0xfd: {  	[tilespmem:s3+$0xFFFFFFC0] =	vst v4  }
0xfe: {  	[hbm4b:s9+s26] =	stream.strided.scatter [tilespmem:s31], [sflag:$0x3], $0x1000, s25, s26, $0x38;
	[tilespmem:$0x1EB00] =	vst v63  }
0xff: {  	_ =	swait.ge [sflag:s2], $0x1000  }
0x100: {  	[sflag:s2] =	ssyncset.done $0x0  }
0x101: {  	s6 =	simm.s32 $0x1470;
	[sflag:s2] =	ssyncadd.s32 $0xFFFFF000  }
0x102: {  	v0 =	vld [tilespmem:s6+$0x0]  }
0x103: {  	v1 =	vld [tilespmem:s6+$0xFFFFFFA0]  }
0x104: {  	v2 =	vld [tilespmem:s6+$0xFFFFFFB0]  }
0x105: {  	v3 =	vld [tilespmem:s6+$0xFFFFFFC0]  }
0x106: {  	v4 =	vld [tilespmem:s6+$0xFFFFFFD0]  }
0x107: {  	v6 =	vld [tilespmem:s6+$0xFFFFFFE0]  }
0x108: {  	v7 =	vld [tilespmem:s6+$0xFFFFFFF0]  }
0x109: {  	v8 =	vld [tilespmem:s6+$0xFFFFFF90]  }
0x10a: {  	v9 =	vld.idx.msk [tilespmem:v0+s28+$0x0], $0xffff  }
0x10b: {  	v10 =	vld.idx.msk [tilespmem:v1+s28+$0x0], $0xffff  }
0x10c: {  	v5 =	vld.idx.msk [tilespmem:v2+s28+$0x0], $0xffff  }
0x10d: {  	v3 =	vld.idx.msk [tilespmem:v3+s28+$0x0], $0xffff  }
0x10e: {  	v0 =	vld.idx.msk [tilespmem:v4+s28+$0x0], $0xffff  }
0x10f: {  	s3 =	simm.s32 $0x1DB40;
	v1 =	vld.idx.msk [tilespmem:v6+s28+$0x0], $0xffff  }
0x110: {  	v2 =	vld.idx.msk [tilespmem:v7+s28+$0x0], $0xffff;
	[tilespmem:s3+$0x30] =	vst v9  }
0x111: {  	s4 =	simm.s32 $0x0;
	s5 =	simm.s32 $0x14F0;
	v4 =	vld.idx.msk [tilespmem:v8+s28+$0x0], $0xffff;
	[tilespmem:s3+$0xFFFFFFD0] =	vst v10  }
.LBB2_12:
0x112: {  	v6 =	vld [tilespmem:s5+$0x0];
	s4 =	sadd.s32 $0x80, s4;
	[tilespmem:s3+$0xFFFFFFE0] =	vst v5  }
0x113: {  	v5 =	vld [tilespmem:s5+$0xFFFFFFA0];
	p1 =	slt.u32 s4, $0xF80;
	[tilespmem:s3+$0xFFFFFFF0] =	vst v3  }
0x114: {  	v3 =	vld [tilespmem:s5+$0xFFFFFFB0];
	[tilespmem:s3+$0x0] =	vst v0  }
0x115: {  	v0 =	vld [tilespmem:s5+$0xFFFFFFC0];
	[tilespmem:s3+$0x10] =	vst v1  }
0x116: {  	v1 =	vld [tilespmem:s5+$0xFFFFFFD0];
	[tilespmem:s3+$0x20] =	vst v2  }
0x117: {  	v2 =	vld [tilespmem:s5+$0xFFFFFFE0];
	[tilespmem:s3+$0xFFFFFFC0] =	vst v4  }
0x118: {  	v4 =	vld [tilespmem:s5+$0xFFFFFFF0]  }
0x119: {  	v7 =	vld [tilespmem:s5+$0xFFFFFF90]  }
0x11a: {  	v6 =	vld.idx.msk [tilespmem:v6+s28+$0x0], $0xffff  }
0x11b: {  	v8 =	vld.idx.msk [tilespmem:v5+s28+$0x0], $0xffff  }
0x11c: {  	v5 =	vld.idx.msk [tilespmem:v3+s28+$0x0], $0xffff  }
.Ltmp5:
0x11d: {  	v3 =	vld.idx.msk [tilespmem:v0+s28+$0x0], $0xffff;
	(pc) =	sbr.rel @p1 .LBB2_12-.Ltmp5, $4  }
0x11e: {  	v0 =	vld.idx.msk [tilespmem:v1+s28+$0x0], $0xffff  }
0x11f: {  	s3 =	sadd.s32 $0x80, s3;
	v1 =	vld.idx.msk [tilespmem:v2+s28+$0x0], $0xffff  }
0x120: {  	v2 =	vld.idx.msk [tilespmem:v4+s28+$0x0], $0xffff;
	[tilespmem:s3+$0x30] =	vst v6  }
0x121: {  	s5 =	sadd.s32 $0x80, s5;
	v4 =	vld.idx.msk [tilespmem:v7+s28+$0x0], $0xffff;
	[tilespmem:s3+$0xFFFFFFD0] =	vst v8  }
0x122: {  	[tilespmem:s3+$0xFFFFFFE0] =	vst v5  }
0x123: {  	[tilespmem:s3+$0xFFFFFFF0] =	vst v3  }
0x124: {  	[tilespmem:s3+$0x0] =	vst v0  }
0x125: {  	[tilespmem:s3+$0x10] =	vst v1  }
0x126: {  	[tilespmem:s3+$0x20] =	vst v2  }
0x127: {  	[tilespmem:s3+$0xFFFFFFC0] =	vst v4  }
0x128: {  	[hbm4b:s10+s26] =	stream.strided.scatter [tilespmem:s1], [sflag:$0x4], $0x1000, s25, s26, $0x38;
	[tilespmem:$0x1EB00] =	vst v63  }
0x129: {  	_ =	swait.ge [sflag:s0], $0x1000  }
0x12a: {  	[sflag:s0] =	ssyncset.done $0x0  }
0x12b: {  	s6 =	simm.s32 $0x2470;
	[sflag:s0] =	ssyncadd.s32 $0xFFFFF000  }
0x12c: {  	v0 =	vld [tilespmem:s6+$0x0]  }
0x12d: {  	v1 =	vld [tilespmem:s6+$0xFFFFFFA0]  }
0x12e: {  	v2 =	vld [tilespmem:s6+$0xFFFFFFB0]  }
0x12f: {  	v3 =	vld [tilespmem:s6+$0xFFFFFFC0]  }
0x130: {  	v4 =	vld [tilespmem:s6+$0xFFFFFFD0]  }
0x131: {  	v6 =	vld [tilespmem:s6+$0xFFFFFFE0]  }
0x132: {  	v7 =	vld [tilespmem:s6+$0xFFFFFFF0]  }
0x133: {  	v8 =	vld [tilespmem:s6+$0xFFFFFF90]  }
0x134: {  	v9 =	vld.idx.msk [tilespmem:v0+s28+$0x0], $0xffff  }
0x135: {  	v10 =	vld.idx.msk [tilespmem:v1+s28+$0x0], $0xffff  }
0x136: {  	v5 =	vld.idx.msk [tilespmem:v2+s28+$0x0], $0xffff  }
0x137: {  	v3 =	vld.idx.msk [tilespmem:v3+s28+$0x0], $0xffff  }
0x138: {  	v0 =	vld.idx.msk [tilespmem:v4+s28+$0x0], $0xffff  }
0x139: {  	s3 =	simm.s32 $0x1CB40;
	v1 =	vld.idx.msk [tilespmem:v6+s28+$0x0], $0xffff  }
0x13a: {  	v2 =	vld.idx.msk [tilespmem:v7+s28+$0x0], $0xffff;
	[tilespmem:s3+$0x30] =	vst v9  }
0x13b: {  	s4 =	simm.s32 $0x0;
	s5 =	simm.s32 $0x24F0;
	v4 =	vld.idx.msk [tilespmem:v8+s28+$0x0], $0xffff;
	[tilespmem:s3+$0xFFFFFFD0] =	vst v10  }
.LBB2_14:
0x13c: {  	v6 =	vld [tilespmem:s5+$0x0];
	s4 =	sadd.s32 $0x80, s4;
	[tilespmem:s3+$0xFFFFFFE0] =	vst v5  }
0x13d: {  	v5 =	vld [tilespmem:s5+$0xFFFFFFA0];
	p1 =	slt.u32 s4, $0xF80;
	[tilespmem:s3+$0xFFFFFFF0] =	vst v3  }
0x13e: {  	v3 =	vld [tilespmem:s5+$0xFFFFFFB0];
	[tilespmem:s3+$0x0] =	vst v0  }
0x13f: {  	v0 =	vld [tilespmem:s5+$0xFFFFFFC0];
	[tilespmem:s3+$0x10] =	vst v1  }
0x140: {  	v1 =	vld [tilespmem:s5+$0xFFFFFFD0];
	[tilespmem:s3+$0x20] =	vst v2  }
0x141: {  	v2 =	vld [tilespmem:s5+$0xFFFFFFE0];
	[tilespmem:s3+$0xFFFFFFC0] =	vst v4  }
0x142: {  	v4 =	vld [tilespmem:s5+$0xFFFFFFF0]  }
0x143: {  	v7 =	vld [tilespmem:s5+$0xFFFFFF90]  }
0x144: {  	v6 =	vld.idx.msk [tilespmem:v6+s28+$0x0], $0xffff  }
0x145: {  	v8 =	vld.idx.msk [tilespmem:v5+s28+$0x0], $0xffff  }
0x146: {  	v5 =	vld.idx.msk [tilespmem:v3+s28+$0x0], $0xffff  }
.Ltmp6:
0x147: {  	v3 =	vld.idx.msk [tilespmem:v0+s28+$0x0], $0xffff;
	(pc) =	sbr.rel @p1 .LBB2_14-.Ltmp6, $4  }
0x148: {  	v0 =	vld.idx.msk [tilespmem:v1+s28+$0x0], $0xffff  }
0x149: {  	s3 =	sadd.s32 $0x80, s3;
	v1 =	vld.idx.msk [tilespmem:v2+s28+$0x0], $0xffff  }
0x14a: {  	v2 =	vld.idx.msk [tilespmem:v4+s28+$0x0], $0xffff;
	[tilespmem:s3+$0x30] =	vst v6  }
0x14b: {  	s5 =	sadd.s32 $0x80, s5;
	v4 =	vld.idx.msk [tilespmem:v7+s28+$0x0], $0xffff;
	[tilespmem:s3+$0xFFFFFFD0] =	vst v8  }
0x14c: {  	[tilespmem:s3+$0xFFFFFFE0] =	vst v5  }
0x14d: {  	[tilespmem:s3+$0xFFFFFFF0] =	vst v3  }
0x14e: {  	[tilespmem:s3+$0x0] =	vst v0  }
0x14f: {  	[tilespmem:s3+$0x10] =	vst v1  }
0x150: {  	[tilespmem:s3+$0x20] =	vst v2  }
0x151: {  	[tilespmem:s3+$0xFFFFFFC0] =	vst v4  }
0x152: {  	[hbm4b:s11+s26] =	stream.strided.scatter [tilespmem:s31], [sflag:$0x3], $0x1000, s25, s26, $0x38;
	[tilespmem:$0x1EB00] =	vst v63  }
0x153: {  	_ =	swait.ge [sflag:s2], $0x1000  }
0x154: {  	[sflag:s2] =	ssyncset.done $0x0  }
0x155: {  	s6 =	simm.s32 $0x3470;
	[sflag:s2] =	ssyncadd.s32 $0xFFFFF000  }
0x156: {  	v0 =	vld [tilespmem:s6+$0x0]  }
0x157: {  	v1 =	vld [tilespmem:s6+$0xFFFFFFA0]  }
0x158: {  	v2 =	vld [tilespmem:s6+$0xFFFFFFB0]  }
0x159: {  	v3 =	vld [tilespmem:s6+$0xFFFFFFC0]  }
0x15a: {  	v4 =	vld [tilespmem:s6+$0xFFFFFFD0]  }
0x15b: {  	v6 =	vld [tilespmem:s6+$0xFFFFFFE0]  }
0x15c: {  	v7 =	vld [tilespmem:s6+$0xFFFFFFF0]  }
0x15d: {  	v8 =	vld [tilespmem:s6+$0xFFFFFF90]  }
0x15e: {  	v9 =	vld.idx.msk [tilespmem:v0+s28+$0x0], $0xffff  }
0x15f: {  	v10 =	vld.idx.msk [tilespmem:v1+s28+$0x0], $0xffff  }
0x160: {  	v5 =	vld.idx.msk [tilespmem:v2+s28+$0x0], $0xffff  }
0x161: {  	v3 =	vld.idx.msk [tilespmem:v3+s28+$0x0], $0xffff  }
0x162: {  	v0 =	vld.idx.msk [tilespmem:v4+s28+$0x0], $0xffff  }
0x163: {  	s3 =	simm.s32 $0x1DB40;
	v1 =	vld.idx.msk [tilespmem:v6+s28+$0x0], $0xffff  }
0x164: {  	v2 =	vld.idx.msk [tilespmem:v7+s28+$0x0], $0xffff;
	[tilespmem:s3+$0x30] =	vst v9  }
0x165: {  	s4 =	simm.s32 $0x0;
	s5 =	simm.s32 $0x34F0;
	v4 =	vld.idx.msk [tilespmem:v8+s28+$0x0], $0xffff;
	[tilespmem:s3+$0xFFFFFFD0] =	vst v10  }
.LBB2_16:
0x166: {  	v6 =	vld [tilespmem:s5+$0x0];
	s4 =	sadd.s32 $0x80, s4;
	[tilespmem:s3+$0xFFFFFFE0] =	vst v5  }
0x167: {  	v5 =	vld [tilespmem:s5+$0xFFFFFFA0];
	p1 =	slt.u32 s4, $0xF80;
	[tilespmem:s3+$0xFFFFFFF0] =	vst v3  }
0x168: {  	v3 =	vld [tilespmem:s5+$0xFFFFFFB0];
	[tilespmem:s3+$0x0] =	vst v0  }
0x169: {  	v0 =	vld [tilespmem:s5+$0xFFFFFFC0];
	[tilespmem:s3+$0x10] =	vst v1  }
0x16a: {  	v1 =	vld [tilespmem:s5+$0xFFFFFFD0];
	[tilespmem:s3+$0x20] =	vst v2  }
0x16b: {  	v2 =	vld [tilespmem:s5+$0xFFFFFFE0];
	[tilespmem:s3+$0xFFFFFFC0] =	vst v4  }
0x16c: {  	v4 =	vld [tilespmem:s5+$0xFFFFFFF0]  }
0x16d: {  	v7 =	vld [tilespmem:s5+$0xFFFFFF90]  }
0x16e: {  	v6 =	vld.idx.msk [tilespmem:v6+s28+$0x0], $0xffff  }
0x16f: {  	v8 =	vld.idx.msk [tilespmem:v5+s28+$0x0], $0xffff  }
0x170: {  	v5 =	vld.idx.msk [tilespmem:v3+s28+$0x0], $0xffff  }
.Ltmp7:
0x171: {  	v3 =	vld.idx.msk [tilespmem:v0+s28+$0x0], $0xffff;
	(pc) =	sbr.rel @p1 .LBB2_16-.Ltmp7, $4  }
0x172: {  	v0 =	vld.idx.msk [tilespmem:v1+s28+$0x0], $0xffff  }
0x173: {  	s3 =	sadd.s32 $0x80, s3;
	v1 =	vld.idx.msk [tilespmem:v2+s28+$0x0], $0xffff  }
0x174: {  	v2 =	vld.idx.msk [tilespmem:v4+s28+$0x0], $0xffff;
	[tilespmem:s3+$0x30] =	vst v6  }
0x175: {  	s5 =	sadd.s32 $0x80, s5;
	v4 =	vld.idx.msk [tilespmem:v7+s28+$0x0], $0xffff;
	[tilespmem:s3+$0xFFFFFFD0] =	vst v8  }
0x176: {  	[tilespmem:s3+$0xFFFFFFE0] =	vst v5  }
0x177: {  	[tilespmem:s3+$0xFFFFFFF0] =	vst v3  }
0x178: {  	[tilespmem:s3+$0x0] =	vst v0  }
0x179: {  	[tilespmem:s3+$0x10] =	vst v1  }
0x17a: {  	[tilespmem:s3+$0x20] =	vst v2  }
0x17b: {  	[tilespmem:s3+$0xFFFFFFC0] =	vst v4  }
0x17c: {  	[hbm4b:s12+s26] =	stream.strided.scatter [tilespmem:s1], [sflag:$0x4], $0x1000, s25, s26, $0x38;
	[tilespmem:$0x1EB00] =	vst v63  }
0x17d: {  	_ = 	snop  }
0x17e: {  	[tilespmem:s28], [sflag:$0x2] =	stream.strided.gather [hbm4b:s13+s26], $0x18700, s25, s26, $0x38;
	[tilespmem:$0x1EB00] =	vst v63  }
0x17f: {  	_ =	swait.ge [sflag:s29], $0x18700  }
0x180: {  	[sflag:s29] =	ssyncset.done $0x0  }
0x181: {  	[sflag:s29] =	ssyncadd.s32 $0xFFFE7900  }
0x182: {  	_ =	swait.ge [sflag:s0], $0x1000  }
0x183: {  	[sflag:s0] =	ssyncset.done $0x0  }
0x184: {  	s6 =	simm.s32 $0x440;
	[sflag:s0] =	ssyncadd.s32 $0xFFFFF000  }
0x185: {  	v0 =	vld [tilespmem:s6+$0x30]  }
0x186: {  	v1 =	vld [tilespmem:s6+$0xFFFFFFD0]  }
0x187: {  	v2 =	vld [tilespmem:s6+$0xFFFFFFE0]  }
0x188: {  	v3 =	vld [tilespmem:s6+$0xFFFFFFF0]  }
0x189: {  	v4 =	vld [tilespmem:s6+$0x0]  }
0x18a: {  	v6 =	vld [tilespmem:s6+$0x10]  }
0x18b: {  	v7 =	vld [tilespmem:s6+$0x20]  }
0x18c: {  	v8 =	vld [tilespmem:s6+$0xFFFFFFC0]  }
0x18d: {  	v9 =	vld.idx.msk [tilespmem:v0+s28+$0x0], $0xffff  }
0x18e: {  	v10 =	vld.idx.msk [tilespmem:v1+s28+$0x0], $0xffff  }
0x18f: {  	v5 =	vld.idx.msk [tilespmem:v2+s28+$0x0], $0xffff  }
0x190: {  	v3 =	vld.idx.msk [tilespmem:v3+s28+$0x0], $0xffff  }
0x191: {  	v0 =	vld.idx.msk [tilespmem:v4+s28+$0x0], $0xffff  }
0x192: {  	s3 =	simm.s32 $0x1CB40;
	v1 =	vld.idx.msk [tilespmem:v6+s28+$0x0], $0xffff  }
0x193: {  	v2 =	vld.idx.msk [tilespmem:v7+s28+$0x0], $0xffff;
	[tilespmem:s3+$0x30] =	vst v9  }
0x194: {  	s4 =	simm.s32 $0x0;
	s5 =	simm.s32 $0x4C0;
	v4 =	vld.idx.msk [tilespmem:v8+s28+$0x0], $0xffff;
	[tilespmem:s3+$0xFFFFFFD0] =	vst v10  }
.LBB2_18:
0x195: {  	v6 =	vld [tilespmem:s5+$0x30];
	s4 =	sadd.s32 $0x80, s4;
	[tilespmem:s3+$0xFFFFFFE0] =	vst v5  }
0x196: {  	v5 =	vld [tilespmem:s5+$0xFFFFFFD0];
	p1 =	slt.u32 s4, $0xF80;
	[tilespmem:s3+$0xFFFFFFF0] =	vst v3  }
0x197: {  	v3 =	vld [tilespmem:s5+$0xFFFFFFE0];
	[tilespmem:s3+$0x0] =	vst v0  }
0x198: {  	v0 =	vld [tilespmem:s5+$0xFFFFFFF0];
	[tilespmem:s3+$0x10] =	vst v1  }
0x199: {  	v1 =	vld [tilespmem:s5+$0x0];
	[tilespmem:s3+$0x20] =	vst v2  }
0x19a: {  	v2 =	vld [tilespmem:s5+$0x10];
	[tilespmem:s3+$0xFFFFFFC0] =	vst v4  }
0x19b: {  	v4 =	vld [tilespmem:s5+$0x20]  }
0x19c: {  	v7 =	vld [tilespmem:s5+$0xFFFFFFC0]  }
0x19d: {  	v6 =	vld.idx.msk [tilespmem:v6+s28+$0x0], $0xffff  }
0x19e: {  	v8 =	vld.idx.msk [tilespmem:v5+s28+$0x0], $0xffff  }
0x19f: {  	v5 =	vld.idx.msk [tilespmem:v3+s28+$0x0], $0xffff  }
.Ltmp8:
0x1a0: {  	v3 =	vld.idx.msk [tilespmem:v0+s28+$0x0], $0xffff;
	(pc) =	sbr.rel @p1 .LBB2_18-.Ltmp8, $4  }
0x1a1: {  	v0 =	vld.idx.msk [tilespmem:v1+s28+$0x0], $0xffff  }
0x1a2: {  	s3 =	sadd.s32 $0x80, s3;
	v1 =	vld.idx.msk [tilespmem:v2+s28+$0x0], $0xffff  }
0x1a3: {  	v2 =	vld.idx.msk [tilespmem:v4+s28+$0x0], $0xffff;
	[tilespmem:s3+$0x30] =	vst v6  }
0x1a4: {  	s5 =	sadd.s32 $0x80, s5;
	v4 =	vld.idx.msk [tilespmem:v7+s28+$0x0], $0xffff;
	[tilespmem:s3+$0xFFFFFFD0] =	vst v8  }
0x1a5: {  	[tilespmem:s3+$0xFFFFFFE0] =	vst v5  }
0x1a6: {  	[tilespmem:s3+$0xFFFFFFF0] =	vst v3  }
0x1a7: {  	[tilespmem:s3+$0x0] =	vst v0  }
0x1a8: {  	[tilespmem:s3+$0x10] =	vst v1  }
0x1a9: {  	[tilespmem:s3+$0x20] =	vst v2  }
0x1aa: {  	[tilespmem:s3+$0xFFFFFFC0] =	vst v4  }
0x1ab: {  	[hbm4b:s14+s26] =	stream.strided.scatter [tilespmem:s31], [sflag:$0x3], $0x1000, s25, s26, $0x38;
	[tilespmem:$0x1EB00] =	vst v63  }
0x1ac: {  	_ =	swait.ge [sflag:s2], $0x1000  }
0x1ad: {  	[sflag:s2] =	ssyncset.done $0x0  }
0x1ae: {  	s6 =	simm.s32 $0x1470;
	[sflag:s2] =	ssyncadd.s32 $0xFFFFF000  }
0x1af: {  	v0 =	vld [tilespmem:s6+$0x0]  }
0x1b0: {  	v1 =	vld [tilespmem:s6+$0xFFFFFFA0]  }
0x1b1: {  	v2 =	vld [tilespmem:s6+$0xFFFFFFB0]  }
0x1b2: {  	v3 =	vld [tilespmem:s6+$0xFFFFFFC0]  }
0x1b3: {  	v4 =	vld [tilespmem:s6+$0xFFFFFFD0]  }
0x1b4: {  	v6 =	vld [tilespmem:s6+$0xFFFFFFE0]  }
0x1b5: {  	v7 =	vld [tilespmem:s6+$0xFFFFFFF0]  }
0x1b6: {  	v8 =	vld [tilespmem:s6+$0xFFFFFF90]  }
0x1b7: {  	v9 =	vld.idx.msk [tilespmem:v0+s28+$0x0], $0xffff  }
0x1b8: {  	v10 =	vld.idx.msk [tilespmem:v1+s28+$0x0], $0xffff  }
0x1b9: {  	v5 =	vld.idx.msk [tilespmem:v2+s28+$0x0], $0xffff  }
0x1ba: {  	v3 =	vld.idx.msk [tilespmem:v3+s28+$0x0], $0xffff  }
0x1bb: {  	v0 =	vld.idx.msk [tilespmem:v4+s28+$0x0], $0xffff  }
0x1bc: {  	s3 =	simm.s32 $0x1DB40;
	v1 =	vld.idx.msk [tilespmem:v6+s28+$0x0], $0xffff  }
0x1bd: {  	v2 =	vld.idx.msk [tilespmem:v7+s28+$0x0], $0xffff;
	[tilespmem:s3+$0x30] =	vst v9  }
0x1be: {  	s4 =	simm.s32 $0x0;
	s5 =	simm.s32 $0x14F0;
	v4 =	vld.idx.msk [tilespmem:v8+s28+$0x0], $0xffff;
	[tilespmem:s3+$0xFFFFFFD0] =	vst v10  }
.LBB2_20:
0x1bf: {  	v6 =	vld [tilespmem:s5+$0x0];
	s4 =	sadd.s32 $0x80, s4;
	[tilespmem:s3+$0xFFFFFFE0] =	vst v5  }
0x1c0: {  	v5 =	vld [tilespmem:s5+$0xFFFFFFA0];
	p1 =	slt.u32 s4, $0xF80;
	[tilespmem:s3+$0xFFFFFFF0] =	vst v3  }
0x1c1: {  	v3 =	vld [tilespmem:s5+$0xFFFFFFB0];
	[tilespmem:s3+$0x0] =	vst v0  }
0x1c2: {  	v0 =	vld [tilespmem:s5+$0xFFFFFFC0];
	[tilespmem:s3+$0x10] =	vst v1  }
0x1c3: {  	v1 =	vld [tilespmem:s5+$0xFFFFFFD0];
	[tilespmem:s3+$0x20] =	vst v2  }
0x1c4: {  	v2 =	vld [tilespmem:s5+$0xFFFFFFE0];
	[tilespmem:s3+$0xFFFFFFC0] =	vst v4  }
0x1c5: {  	v4 =	vld [tilespmem:s5+$0xFFFFFFF0]  }
0x1c6: {  	v7 =	vld [tilespmem:s5+$0xFFFFFF90]  }
0x1c7: {  	v6 =	vld.idx.msk [tilespmem:v6+s28+$0x0], $0xffff  }
0x1c8: {  	v8 =	vld.idx.msk [tilespmem:v5+s28+$0x0], $0xffff  }
0x1c9: {  	v5 =	vld.idx.msk [tilespmem:v3+s28+$0x0], $0xffff  }
.Ltmp9:
0x1ca: {  	v3 =	vld.idx.msk [tilespmem:v0+s28+$0x0], $0xffff;
	(pc) =	sbr.rel @p1 .LBB2_20-.Ltmp9, $4  }
0x1cb: {  	v0 =	vld.idx.msk [tilespmem:v1+s28+$0x0], $0xffff  }
0x1cc: {  	s3 =	sadd.s32 $0x80, s3;
	v1 =	vld.idx.msk [tilespmem:v2+s28+$0x0], $0xffff  }
0x1cd: {  	v2 =	vld.idx.msk [tilespmem:v4+s28+$0x0], $0xffff;
	[tilespmem:s3+$0x30] =	vst v6  }
0x1ce: {  	s5 =	sadd.s32 $0x80, s5;
	v4 =	vld.idx.msk [tilespmem:v7+s28+$0x0], $0xffff;
	[tilespmem:s3+$0xFFFFFFD0] =	vst v8  }
0x1cf: {  	[tilespmem:s3+$0xFFFFFFE0] =	vst v5  }
0x1d0: {  	[tilespmem:s3+$0xFFFFFFF0] =	vst v3  }
0x1d1: {  	[tilespmem:s3+$0x0] =	vst v0  }
0x1d2: {  	[tilespmem:s3+$0x10] =	vst v1  }
0x1d3: {  	[tilespmem:s3+$0x20] =	vst v2  }
0x1d4: {  	[tilespmem:s3+$0xFFFFFFC0] =	vst v4  }
0x1d5: {  	[hbm4b:s16+s26] =	stream.strided.scatter [tilespmem:s1], [sflag:$0x4], $0x1000, s25, s26, $0x38;
	[tilespmem:$0x1EB00] =	vst v63  }
0x1d6: {  	_ =	swait.ge [sflag:s0], $0x1000  }
0x1d7: {  	[sflag:s0] =	ssyncset.done $0x0  }
0x1d8: {  	s6 =	simm.s32 $0x2470;
	[sflag:s0] =	ssyncadd.s32 $0xFFFFF000  }
0x1d9: {  	v0 =	vld [tilespmem:s6+$0x0]  }
0x1da: {  	v1 =	vld [tilespmem:s6+$0xFFFFFFA0]  }
0x1db: {  	v2 =	vld [tilespmem:s6+$0xFFFFFFB0]  }
0x1dc: {  	v3 =	vld [tilespmem:s6+$0xFFFFFFC0]  }
0x1dd: {  	v4 =	vld [tilespmem:s6+$0xFFFFFFD0]  }
0x1de: {  	v6 =	vld [tilespmem:s6+$0xFFFFFFE0]  }
0x1df: {  	v7 =	vld [tilespmem:s6+$0xFFFFFFF0]  }
0x1e0: {  	v8 =	vld [tilespmem:s6+$0xFFFFFF90]  }
0x1e1: {  	v9 =	vld.idx.msk [tilespmem:v0+s28+$0x0], $0xffff  }
0x1e2: {  	v10 =	vld.idx.msk [tilespmem:v1+s28+$0x0], $0xffff  }
0x1e3: {  	v5 =	vld.idx.msk [tilespmem:v2+s28+$0x0], $0xffff  }
0x1e4: {  	v3 =	vld.idx.msk [tilespmem:v3+s28+$0x0], $0xffff  }
0x1e5: {  	v0 =	vld.idx.msk [tilespmem:v4+s28+$0x0], $0xffff  }
0x1e6: {  	s3 =	simm.s32 $0x1CB40;
	v1 =	vld.idx.msk [tilespmem:v6+s28+$0x0], $0xffff  }
0x1e7: {  	v2 =	vld.idx.msk [tilespmem:v7+s28+$0x0], $0xffff;
	[tilespmem:s3+$0x30] =	vst v9  }
0x1e8: {  	s4 =	simm.s32 $0x0;
	s5 =	simm.s32 $0x24F0;
	v4 =	vld.idx.msk [tilespmem:v8+s28+$0x0], $0xffff;
	[tilespmem:s3+$0xFFFFFFD0] =	vst v10  }
.LBB2_22:
0x1e9: {  	v6 =	vld [tilespmem:s5+$0x0];
	s4 =	sadd.s32 $0x80, s4;
	[tilespmem:s3+$0xFFFFFFE0] =	vst v5  }
0x1ea: {  	v5 =	vld [tilespmem:s5+$0xFFFFFFA0];
	p1 =	slt.u32 s4, $0xF80;
	[tilespmem:s3+$0xFFFFFFF0] =	vst v3  }
0x1eb: {  	v3 =	vld [tilespmem:s5+$0xFFFFFFB0];
	[tilespmem:s3+$0x0] =	vst v0  }
0x1ec: {  	v0 =	vld [tilespmem:s5+$0xFFFFFFC0];
	[tilespmem:s3+$0x10] =	vst v1  }
0x1ed: {  	v1 =	vld [tilespmem:s5+$0xFFFFFFD0];
	[tilespmem:s3+$0x20] =	vst v2  }
0x1ee: {  	v2 =	vld [tilespmem:s5+$0xFFFFFFE0];
	[tilespmem:s3+$0xFFFFFFC0] =	vst v4  }
0x1ef: {  	v4 =	vld [tilespmem:s5+$0xFFFFFFF0]  }
0x1f0: {  	v7 =	vld [tilespmem:s5+$0xFFFFFF90]  }
0x1f1: {  	v6 =	vld.idx.msk [tilespmem:v6+s28+$0x0], $0xffff  }
0x1f2: {  	v8 =	vld.idx.msk [tilespmem:v5+s28+$0x0], $0xffff  }
0x1f3: {  	v5 =	vld.idx.msk [tilespmem:v3+s28+$0x0], $0xffff  }
.Ltmp10:
0x1f4: {  	v3 =	vld.idx.msk [tilespmem:v0+s28+$0x0], $0xffff;
	(pc) =	sbr.rel @p1 .LBB2_22-.Ltmp10, $4  }
0x1f5: {  	v0 =	vld.idx.msk [tilespmem:v1+s28+$0x0], $0xffff  }
0x1f6: {  	s3 =	sadd.s32 $0x80, s3;
	v1 =	vld.idx.msk [tilespmem:v2+s28+$0x0], $0xffff  }
0x1f7: {  	v2 =	vld.idx.msk [tilespmem:v4+s28+$0x0], $0xffff;
	[tilespmem:s3+$0x30] =	vst v6  }
0x1f8: {  	s5 =	sadd.s32 $0x80, s5;
	v4 =	vld.idx.msk [tilespmem:v7+s28+$0x0], $0xffff;
	[tilespmem:s3+$0xFFFFFFD0] =	vst v8  }
0x1f9: {  	[tilespmem:s3+$0xFFFFFFE0] =	vst v5  }
0x1fa: {  	[tilespmem:s3+$0xFFFFFFF0] =	vst v3  }
0x1fb: {  	[tilespmem:s3+$0x0] =	vst v0  }
0x1fc: {  	[tilespmem:s3+$0x10] =	vst v1  }
0x1fd: {  	[tilespmem:s3+$0x20] =	vst v2  }
0x1fe: {  	[tilespmem:s3+$0xFFFFFFC0] =	vst v4  }
0x1ff: {  	[hbm4b:s17+s26] =	stream.strided.scatter [tilespmem:s31], [sflag:$0x3], $0x1000, s25, s26, $0x38;
	[tilespmem:$0x1EB00] =	vst v63  }
0x200: {  	_ =	swait.ge [sflag:s2], $0x1000  }
0x201: {  	[sflag:s2] =	ssyncset.done $0x0  }
0x202: {  	s6 =	simm.s32 $0x3470;
	[sflag:s2] =	ssyncadd.s32 $0xFFFFF000  }
0x203: {  	v0 =	vld [tilespmem:s6+$0x0]  }
0x204: {  	v1 =	vld [tilespmem:s6+$0xFFFFFFA0]  }
0x205: {  	v2 =	vld [tilespmem:s6+$0xFFFFFFB0]  }
0x206: {  	v3 =	vld [tilespmem:s6+$0xFFFFFFC0]  }
0x207: {  	v4 =	vld [tilespmem:s6+$0xFFFFFFD0]  }
0x208: {  	v6 =	vld [tilespmem:s6+$0xFFFFFFE0]  }
0x209: {  	v7 =	vld [tilespmem:s6+$0xFFFFFFF0]  }
0x20a: {  	v8 =	vld [tilespmem:s6+$0xFFFFFF90]  }
0x20b: {  	v9 =	vld.idx.msk [tilespmem:v0+s28+$0x0], $0xffff  }
0x20c: {  	v10 =	vld.idx.msk [tilespmem:v1+s28+$0x0], $0xffff  }
0x20d: {  	v5 =	vld.idx.msk [tilespmem:v2+s28+$0x0], $0xffff  }
0x20e: {  	v3 =	vld.idx.msk [tilespmem:v3+s28+$0x0], $0xffff  }
0x20f: {  	v0 =	vld.idx.msk [tilespmem:v4+s28+$0x0], $0xffff  }
0x210: {  	s3 =	simm.s32 $0x1DB40;
	v1 =	vld.idx.msk [tilespmem:v6+s28+$0x0], $0xffff  }
0x211: {  	v2 =	vld.idx.msk [tilespmem:v7+s28+$0x0], $0xffff;
	[tilespmem:s3+$0x30] =	vst v9  }
0x212: {  	s4 =	simm.s32 $0x0;
	s5 =	simm.s32 $0x34F0;
	v4 =	vld.idx.msk [tilespmem:v8+s28+$0x0], $0xffff;
	[tilespmem:s3+$0xFFFFFFD0] =	vst v10  }
.LBB2_24:
0x213: {  	v6 =	vld [tilespmem:s5+$0x0];
	s4 =	sadd.s32 $0x80, s4;
	[tilespmem:s3+$0xFFFFFFE0] =	vst v5  }
0x214: {  	v5 =	vld [tilespmem:s5+$0xFFFFFFA0];
	p1 =	slt.u32 s4, $0xF80;
	[tilespmem:s3+$0xFFFFFFF0] =	vst v3  }
0x215: {  	v3 =	vld [tilespmem:s5+$0xFFFFFFB0];
	[tilespmem:s3+$0x0] =	vst v0  }
0x216: {  	v0 =	vld [tilespmem:s5+$0xFFFFFFC0];
	[tilespmem:s3+$0x10] =	vst v1  }
0x217: {  	v1 =	vld [tilespmem:s5+$0xFFFFFFD0];
	[tilespmem:s3+$0x20] =	vst v2  }
0x218: {  	v2 =	vld [tilespmem:s5+$0xFFFFFFE0];
	[tilespmem:s3+$0xFFFFFFC0] =	vst v4  }
0x219: {  	v4 =	vld [tilespmem:s5+$0xFFFFFFF0]  }
0x21a: {  	v7 =	vld [tilespmem:s5+$0xFFFFFF90]  }
0x21b: {  	v6 =	vld.idx.msk [tilespmem:v6+s28+$0x0], $0xffff  }
0x21c: {  	v8 =	vld.idx.msk [tilespmem:v5+s28+$0x0], $0xffff  }
0x21d: {  	v5 =	vld.idx.msk [tilespmem:v3+s28+$0x0], $0xffff  }
.Ltmp11:
0x21e: {  	v3 =	vld.idx.msk [tilespmem:v0+s28+$0x0], $0xffff;
	(pc) =	sbr.rel @p1 .LBB2_24-.Ltmp11, $4  }
0x21f: {  	v0 =	vld.idx.msk [tilespmem:v1+s28+$0x0], $0xffff  }
0x220: {  	s3 =	sadd.s32 $0x80, s3;
	v1 =	vld.idx.msk [tilespmem:v2+s28+$0x0], $0xffff  }
0x221: {  	v2 =	vld.idx.msk [tilespmem:v4+s28+$0x0], $0xffff;
	[tilespmem:s3+$0x30] =	vst v6  }
0x222: {  	s5 =	sadd.s32 $0x80, s5;
	v4 =	vld.idx.msk [tilespmem:v7+s28+$0x0], $0xffff;
	[tilespmem:s3+$0xFFFFFFD0] =	vst v8  }
0x223: {  	[tilespmem:s3+$0xFFFFFFE0] =	vst v5  }
0x224: {  	[tilespmem:s3+$0xFFFFFFF0] =	vst v3  }
0x225: {  	[tilespmem:s3+$0x0] =	vst v0  }
0x226: {  	[tilespmem:s3+$0x10] =	vst v1  }
0x227: {  	[tilespmem:s3+$0x20] =	vst v2  }
0x228: {  	[tilespmem:s3+$0xFFFFFFC0] =	vst v4  }
0x229: {  	[hbm4b:s18+s26] =	stream.strided.scatter [tilespmem:s1], [sflag:$0x4], $0x1000, s25, s26, $0x38;
	[tilespmem:$0x1EB00] =	vst v63  }
0x22a: {  	_ = 	snop  }
0x22b: {  	[tilespmem:s28], [sflag:$0x2] =	stream.strided.gather [hbm4b:s15+s26], $0x18700, s25, s26, $0x38;
	[tilespmem:$0x1EB00] =	vst v63  }
0x22c: {  	_ =	swait.ge [sflag:s29], $0x18700  }
0x22d: {  	[sflag:s29] =	ssyncset.done $0x0  }
0x22e: {  	[sflag:s29] =	ssyncadd.s32 $0xFFFE7900  }
0x22f: {  	_ =	swait.ge [sflag:s0], $0x1000  }
0x230: {  	[sflag:s0] =	ssyncset.done $0x0  }
0x231: {  	s6 =	simm.s32 $0x440;
	[sflag:s0] =	ssyncadd.s32 $0xFFFFF000  }
0x232: {  	v0 =	vld [tilespmem:s6+$0x30]  }
0x233: {  	v1 =	vld [tilespmem:s6+$0xFFFFFFD0]  }
0x234: {  	v2 =	vld [tilespmem:s6+$0xFFFFFFE0]  }
0x235: {  	v3 =	vld [tilespmem:s6+$0xFFFFFFF0]  }
0x236: {  	v4 =	vld [tilespmem:s6+$0x0]  }
0x237: {  	v6 =	vld [tilespmem:s6+$0x10]  }
0x238: {  	v7 =	vld [tilespmem:s6+$0x20]  }
0x239: {  	v8 =	vld [tilespmem:s6+$0xFFFFFFC0]  }
0x23a: {  	v9 =	vld.idx.msk [tilespmem:v0+s28+$0x0], $0xffff  }
0x23b: {  	v10 =	vld.idx.msk [tilespmem:v1+s28+$0x0], $0xffff  }
0x23c: {  	v5 =	vld.idx.msk [tilespmem:v2+s28+$0x0], $0xffff  }
0x23d: {  	v3 =	vld.idx.msk [tilespmem:v3+s28+$0x0], $0xffff  }
0x23e: {  	v0 =	vld.idx.msk [tilespmem:v4+s28+$0x0], $0xffff  }
0x23f: {  	s3 =	simm.s32 $0x1CB40;
	v1 =	vld.idx.msk [tilespmem:v6+s28+$0x0], $0xffff  }
0x240: {  	v2 =	vld.idx.msk [tilespmem:v7+s28+$0x0], $0xffff;
	[tilespmem:s3+$0x30] =	vst v9  }
0x241: {  	s4 =	simm.s32 $0x0;
	s5 =	simm.s32 $0x4C0;
	v4 =	vld.idx.msk [tilespmem:v8+s28+$0x0], $0xffff;
	[tilespmem:s3+$0xFFFFFFD0] =	vst v10  }
.LBB2_26:
0x242: {  	v6 =	vld [tilespmem:s5+$0x30];
	s4 =	sadd.s32 $0x80, s4;
	[tilespmem:s3+$0xFFFFFFE0] =	vst v5  }
0x243: {  	v5 =	vld [tilespmem:s5+$0xFFFFFFD0];
	p1 =	slt.u32 s4, $0xF80;
	[tilespmem:s3+$0xFFFFFFF0] =	vst v3  }
0x244: {  	v3 =	vld [tilespmem:s5+$0xFFFFFFE0];
	[tilespmem:s3+$0x0] =	vst v0  }
0x245: {  	v0 =	vld [tilespmem:s5+$0xFFFFFFF0];
	[tilespmem:s3+$0x10] =	vst v1  }
0x246: {  	v1 =	vld [tilespmem:s5+$0x0];
	[tilespmem:s3+$0x20] =	vst v2  }
0x247: {  	v2 =	vld [tilespmem:s5+$0x10];
	[tilespmem:s3+$0xFFFFFFC0] =	vst v4  }
0x248: {  	v4 =	vld [tilespmem:s5+$0x20]  }
0x249: {  	v7 =	vld [tilespmem:s5+$0xFFFFFFC0]  }
0x24a: {  	v6 =	vld.idx.msk [tilespmem:v6+s28+$0x0], $0xffff  }
0x24b: {  	v8 =	vld.idx.msk [tilespmem:v5+s28+$0x0], $0xffff  }
0x24c: {  	v5 =	vld.idx.msk [tilespmem:v3+s28+$0x0], $0xffff  }
.Ltmp12:
0x24d: {  	v3 =	vld.idx.msk [tilespmem:v0+s28+$0x0], $0xffff;
	(pc) =	sbr.rel @p1 .LBB2_26-.Ltmp12, $4  }
0x24e: {  	v0 =	vld.idx.msk [tilespmem:v1+s28+$0x0], $0xffff  }
0x24f: {  	s3 =	sadd.s32 $0x80, s3;
	v1 =	vld.idx.msk [tilespmem:v2+s28+$0x0], $0xffff  }
0x250: {  	v2 =	vld.idx.msk [tilespmem:v4+s28+$0x0], $0xffff;
	[tilespmem:s3+$0x30] =	vst v6  }
0x251: {  	s5 =	sadd.s32 $0x80, s5;
	v4 =	vld.idx.msk [tilespmem:v7+s28+$0x0], $0xffff;
	[tilespmem:s3+$0xFFFFFFD0] =	vst v8  }
0x252: {  	[tilespmem:s3+$0xFFFFFFE0] =	vst v5  }
0x253: {  	[tilespmem:s3+$0xFFFFFFF0] =	vst v3  }
0x254: {  	[tilespmem:s3+$0x0] =	vst v0  }
0x255: {  	[tilespmem:s3+$0x10] =	vst v1  }
0x256: {  	[tilespmem:s3+$0x20] =	vst v2  }
0x257: {  	[tilespmem:s3+$0xFFFFFFC0] =	vst v4  }
0x258: {  	[hbm4b:s19+s26] =	stream.strided.scatter [tilespmem:s31], [sflag:$0x3], $0x1000, s25, s26, $0x38;
	[tilespmem:$0x1EB00] =	vst v63  }
0x259: {  	_ =	swait.ge [sflag:s2], $0x1000  }
0x25a: {  	[sflag:s2] =	ssyncset.done $0x0  }
0x25b: {  	s6 =	simm.s32 $0x1470;
	[sflag:s2] =	ssyncadd.s32 $0xFFFFF000  }
0x25c: {  	v0 =	vld [tilespmem:s6+$0x0]  }
0x25d: {  	v1 =	vld [tilespmem:s6+$0xFFFFFFA0]  }
0x25e: {  	v2 =	vld [tilespmem:s6+$0xFFFFFFB0]  }
0x25f: {  	v3 =	vld [tilespmem:s6+$0xFFFFFFC0]  }
0x260: {  	v4 =	vld [tilespmem:s6+$0xFFFFFFD0]  }
0x261: {  	v6 =	vld [tilespmem:s6+$0xFFFFFFE0]  }
0x262: {  	v7 =	vld [tilespmem:s6+$0xFFFFFFF0]  }
0x263: {  	v8 =	vld [tilespmem:s6+$0xFFFFFF90]  }
0x264: {  	v9 =	vld.idx.msk [tilespmem:v0+s28+$0x0], $0xffff  }
0x265: {  	v10 =	vld.idx.msk [tilespmem:v1+s28+$0x0], $0xffff  }
0x266: {  	v5 =	vld.idx.msk [tilespmem:v2+s28+$0x0], $0xffff  }
0x267: {  	v3 =	vld.idx.msk [tilespmem:v3+s28+$0x0], $0xffff  }
0x268: {  	v0 =	vld.idx.msk [tilespmem:v4+s28+$0x0], $0xffff  }
0x269: {  	s3 =	simm.s32 $0x1DB40;
	v1 =	vld.idx.msk [tilespmem:v6+s28+$0x0], $0xffff  }
0x26a: {  	v2 =	vld.idx.msk [tilespmem:v7+s28+$0x0], $0xffff;
	[tilespmem:s3+$0x30] =	vst v9  }
0x26b: {  	s4 =	simm.s32 $0x0;
	s5 =	simm.s32 $0x14F0;
	v4 =	vld.idx.msk [tilespmem:v8+s28+$0x0], $0xffff;
	[tilespmem:s3+$0xFFFFFFD0] =	vst v10  }
.LBB2_28:
0x26c: {  	v6 =	vld [tilespmem:s5+$0x0];
	s4 =	sadd.s32 $0x80, s4;
	[tilespmem:s3+$0xFFFFFFE0] =	vst v5  }
0x26d: {  	v5 =	vld [tilespmem:s5+$0xFFFFFFA0];
	p1 =	slt.u32 s4, $0xF80;
	[tilespmem:s3+$0xFFFFFFF0] =	vst v3  }
0x26e: {  	v3 =	vld [tilespmem:s5+$0xFFFFFFB0];
	[tilespmem:s3+$0x0] =	vst v0  }
0x26f: {  	v0 =	vld [tilespmem:s5+$0xFFFFFFC0];
	[tilespmem:s3+$0x10] =	vst v1  }
0x270: {  	v1 =	vld [tilespmem:s5+$0xFFFFFFD0];
	[tilespmem:s3+$0x20] =	vst v2  }
0x271: {  	v2 =	vld [tilespmem:s5+$0xFFFFFFE0];
	[tilespmem:s3+$0xFFFFFFC0] =	vst v4  }
0x272: {  	v4 =	vld [tilespmem:s5+$0xFFFFFFF0]  }
0x273: {  	v7 =	vld [tilespmem:s5+$0xFFFFFF90]  }
0x274: {  	v6 =	vld.idx.msk [tilespmem:v6+s28+$0x0], $0xffff  }
0x275: {  	v8 =	vld.idx.msk [tilespmem:v5+s28+$0x0], $0xffff  }
0x276: {  	v5 =	vld.idx.msk [tilespmem:v3+s28+$0x0], $0xffff  }
.Ltmp13:
0x277: {  	v3 =	vld.idx.msk [tilespmem:v0+s28+$0x0], $0xffff;
	(pc) =	sbr.rel @p1 .LBB2_28-.Ltmp13, $4  }
0x278: {  	v0 =	vld.idx.msk [tilespmem:v1+s28+$0x0], $0xffff  }
0x279: {  	s3 =	sadd.s32 $0x80, s3;
	v1 =	vld.idx.msk [tilespmem:v2+s28+$0x0], $0xffff  }
0x27a: {  	v2 =	vld.idx.msk [tilespmem:v4+s28+$0x0], $0xffff;
	[tilespmem:s3+$0x30] =	vst v6  }
0x27b: {  	s5 =	sadd.s32 $0x80, s5;
	v4 =	vld.idx.msk [tilespmem:v7+s28+$0x0], $0xffff;
	[tilespmem:s3+$0xFFFFFFD0] =	vst v8  }
0x27c: {  	[tilespmem:s3+$0xFFFFFFE0] =	vst v5  }
0x27d: {  	[tilespmem:s3+$0xFFFFFFF0] =	vst v3  }
0x27e: {  	[tilespmem:s3+$0x0] =	vst v0  }
0x27f: {  	[tilespmem:s3+$0x10] =	vst v1  }
0x280: {  	[tilespmem:s3+$0x20] =	vst v2  }
0x281: {  	[tilespmem:s3+$0xFFFFFFC0] =	vst v4  }
0x282: {  	[hbm4b:s20+s26] =	stream.strided.scatter [tilespmem:s1], [sflag:$0x4], $0x1000, s25, s26, $0x38;
	[tilespmem:$0x1EB00] =	vst v63  }
0x283: {  	_ =	swait.ge [sflag:s0], $0x1000  }
0x284: {  	[sflag:s0] =	ssyncset.done $0x0  }
0x285: {  	s6 =	simm.s32 $0x2470;
	[sflag:s0] =	ssyncadd.s32 $0xFFFFF000  }
0x286: {  	v0 =	vld [tilespmem:s6+$0x0]  }
0x287: {  	v1 =	vld [tilespmem:s6+$0xFFFFFFA0]  }
0x288: {  	v2 =	vld [tilespmem:s6+$0xFFFFFFB0]  }
0x289: {  	v3 =	vld [tilespmem:s6+$0xFFFFFFC0]  }
0x28a: {  	v4 =	vld [tilespmem:s6+$0xFFFFFFD0]  }
0x28b: {  	v6 =	vld [tilespmem:s6+$0xFFFFFFE0]  }
0x28c: {  	v7 =	vld [tilespmem:s6+$0xFFFFFFF0]  }
0x28d: {  	v8 =	vld [tilespmem:s6+$0xFFFFFF90]  }
0x28e: {  	v9 =	vld.idx.msk [tilespmem:v0+s28+$0x0], $0xffff  }
0x28f: {  	v10 =	vld.idx.msk [tilespmem:v1+s28+$0x0], $0xffff  }
0x290: {  	v5 =	vld.idx.msk [tilespmem:v2+s28+$0x0], $0xffff  }
0x291: {  	v3 =	vld.idx.msk [tilespmem:v3+s28+$0x0], $0xffff  }
0x292: {  	v0 =	vld.idx.msk [tilespmem:v4+s28+$0x0], $0xffff  }
0x293: {  	s3 =	simm.s32 $0x1CB40;
	v1 =	vld.idx.msk [tilespmem:v6+s28+$0x0], $0xffff  }
0x294: {  	v2 =	vld.idx.msk [tilespmem:v7+s28+$0x0], $0xffff;
	[tilespmem:s3+$0x30] =	vst v9  }
0x295: {  	s4 =	simm.s32 $0x0;
	s5 =	simm.s32 $0x24F0;
	v4 =	vld.idx.msk [tilespmem:v8+s28+$0x0], $0xffff;
	[tilespmem:s3+$0xFFFFFFD0] =	vst v10  }
.LBB2_30:
0x296: {  	v6 =	vld [tilespmem:s5+$0x0];
	s4 =	sadd.s32 $0x80, s4;
	[tilespmem:s3+$0xFFFFFFE0] =	vst v5  }
0x297: {  	v5 =	vld [tilespmem:s5+$0xFFFFFFA0];
	p1 =	slt.u32 s4, $0xF80;
	[tilespmem:s3+$0xFFFFFFF0] =	vst v3  }
0x298: {  	v3 =	vld [tilespmem:s5+$0xFFFFFFB0];
	[tilespmem:s3+$0x0] =	vst v0  }
0x299: {  	v0 =	vld [tilespmem:s5+$0xFFFFFFC0];
	[tilespmem:s3+$0x10] =	vst v1  }
0x29a: {  	v1 =	vld [tilespmem:s5+$0xFFFFFFD0];
	[tilespmem:s3+$0x20] =	vst v2  }
0x29b: {  	v2 =	vld [tilespmem:s5+$0xFFFFFFE0];
	[tilespmem:s3+$0xFFFFFFC0] =	vst v4  }
0x29c: {  	v4 =	vld [tilespmem:s5+$0xFFFFFFF0]  }
0x29d: {  	v7 =	vld [tilespmem:s5+$0xFFFFFF90]  }
0x29e: {  	v6 =	vld.idx.msk [tilespmem:v6+s28+$0x0], $0xffff  }
0x29f: {  	v8 =	vld.idx.msk [tilespmem:v5+s28+$0x0], $0xffff  }
0x2a0: {  	v5 =	vld.idx.msk [tilespmem:v3+s28+$0x0], $0xffff  }
.Ltmp14:
0x2a1: {  	v3 =	vld.idx.msk [tilespmem:v0+s28+$0x0], $0xffff;
	(pc) =	sbr.rel @p1 .LBB2_30-.Ltmp14, $4  }
0x2a2: {  	v0 =	vld.idx.msk [tilespmem:v1+s28+$0x0], $0xffff  }
0x2a3: {  	s3 =	sadd.s32 $0x80, s3;
	v1 =	vld.idx.msk [tilespmem:v2+s28+$0x0], $0xffff  }
0x2a4: {  	v2 =	vld.idx.msk [tilespmem:v4+s28+$0x0], $0xffff;
	[tilespmem:s3+$0x30] =	vst v6  }
0x2a5: {  	s5 =	sadd.s32 $0x80, s5;
	v4 =	vld.idx.msk [tilespmem:v7+s28+$0x0], $0xffff;
	[tilespmem:s3+$0xFFFFFFD0] =	vst v8  }
0x2a6: {  	[tilespmem:s3+$0xFFFFFFE0] =	vst v5  }
0x2a7: {  	[tilespmem:s3+$0xFFFFFFF0] =	vst v3  }
0x2a8: {  	[tilespmem:s3+$0x0] =	vst v0  }
0x2a9: {  	[tilespmem:s3+$0x10] =	vst v1  }
0x2aa: {  	[tilespmem:s3+$0x20] =	vst v2  }
0x2ab: {  	[tilespmem:s3+$0xFFFFFFC0] =	vst v4  }
0x2ac: {  	[hbm4b:s22+s26] =	stream.strided.scatter [tilespmem:s31], [sflag:$0x3], $0x1000, s25, s26, $0x38;
	[tilespmem:$0x1EB00] =	vst v63  }
0x2ad: {  	_ =	swait.ge [sflag:s2], $0x1000  }
0x2ae: {  	[sflag:s2] =	ssyncset.done $0x0  }
0x2af: {  	s6 =	simm.s32 $0x3470;
	[sflag:s2] =	ssyncadd.s32 $0xFFFFF000  }
0x2b0: {  	v0 =	vld [tilespmem:s6+$0x0]  }
0x2b1: {  	v1 =	vld [tilespmem:s6+$0xFFFFFFA0]  }
0x2b2: {  	v2 =	vld [tilespmem:s6+$0xFFFFFFB0]  }
0x2b3: {  	v3 =	vld [tilespmem:s6+$0xFFFFFFC0]  }
0x2b4: {  	v4 =	vld [tilespmem:s6+$0xFFFFFFD0]  }
0x2b5: {  	v6 =	vld [tilespmem:s6+$0xFFFFFFE0]  }
0x2b6: {  	v7 =	vld [tilespmem:s6+$0xFFFFFFF0]  }
0x2b7: {  	v8 =	vld [tilespmem:s6+$0xFFFFFF90]  }
0x2b8: {  	v9 =	vld.idx.msk [tilespmem:v0+s28+$0x0], $0xffff  }
0x2b9: {  	v10 =	vld.idx.msk [tilespmem:v1+s28+$0x0], $0xffff  }
0x2ba: {  	v5 =	vld.idx.msk [tilespmem:v2+s28+$0x0], $0xffff  }
0x2bb: {  	v3 =	vld.idx.msk [tilespmem:v3+s28+$0x0], $0xffff  }
0x2bc: {  	v0 =	vld.idx.msk [tilespmem:v4+s28+$0x0], $0xffff  }
0x2bd: {  	s3 =	simm.s32 $0x1DB40;
	v1 =	vld.idx.msk [tilespmem:v6+s28+$0x0], $0xffff  }
0x2be: {  	v2 =	vld.idx.msk [tilespmem:v7+s28+$0x0], $0xffff;
	[tilespmem:s3+$0x30] =	vst v9  }
0x2bf: {  	s4 =	simm.s32 $0x0;
	s5 =	simm.s32 $0x34F0;
	v4 =	vld.idx.msk [tilespmem:v8+s28+$0x0], $0xffff;
	[tilespmem:s3+$0xFFFFFFD0] =	vst v10  }
.LBB2_32:
0x2c0: {  	v6 =	vld [tilespmem:s5+$0x0];
	s4 =	sadd.s32 $0x80, s4;
	[tilespmem:s3+$0xFFFFFFE0] =	vst v5  }
0x2c1: {  	v5 =	vld [tilespmem:s5+$0xFFFFFFA0];
	p1 =	slt.u32 s4, $0xF80;
	[tilespmem:s3+$0xFFFFFFF0] =	vst v3  }
0x2c2: {  	v3 =	vld [tilespmem:s5+$0xFFFFFFB0];
	[tilespmem:s3+$0x0] =	vst v0  }
0x2c3: {  	v0 =	vld [tilespmem:s5+$0xFFFFFFC0];
	[tilespmem:s3+$0x10] =	vst v1  }
0x2c4: {  	v1 =	vld [tilespmem:s5+$0xFFFFFFD0];
	[tilespmem:s3+$0x20] =	vst v2  }
0x2c5: {  	v2 =	vld [tilespmem:s5+$0xFFFFFFE0];
	[tilespmem:s3+$0xFFFFFFC0] =	vst v4  }
0x2c6: {  	v4 =	vld [tilespmem:s5+$0xFFFFFFF0]  }
0x2c7: {  	v7 =	vld [tilespmem:s5+$0xFFFFFF90]  }
0x2c8: {  	v6 =	vld.idx.msk [tilespmem:v6+s28+$0x0], $0xffff  }
0x2c9: {  	v8 =	vld.idx.msk [tilespmem:v5+s28+$0x0], $0xffff  }
0x2ca: {  	v5 =	vld.idx.msk [tilespmem:v3+s28+$0x0], $0xffff  }
.Ltmp15:
0x2cb: {  	v3 =	vld.idx.msk [tilespmem:v0+s28+$0x0], $0xffff;
	(pc) =	sbr.rel @p1 .LBB2_32-.Ltmp15, $4  }
0x2cc: {  	v0 =	vld.idx.msk [tilespmem:v1+s28+$0x0], $0xffff  }
0x2cd: {  	s3 =	sadd.s32 $0x80, s3;
	v1 =	vld.idx.msk [tilespmem:v2+s28+$0x0], $0xffff  }
0x2ce: {  	v2 =	vld.idx.msk [tilespmem:v4+s28+$0x0], $0xffff;
	[tilespmem:s3+$0x30] =	vst v6  }
0x2cf: {  	s5 =	sadd.s32 $0x80, s5;
	v4 =	vld.idx.msk [tilespmem:v7+s28+$0x0], $0xffff;
	[tilespmem:s3+$0xFFFFFFD0] =	vst v8  }
0x2d0: {  	[tilespmem:s3+$0xFFFFFFE0] =	vst v5  }
0x2d1: {  	[tilespmem:s3+$0xFFFFFFF0] =	vst v3  }
0x2d2: {  	[tilespmem:s3+$0x0] =	vst v0  }
0x2d3: {  	[tilespmem:s3+$0x10] =	vst v1  }
0x2d4: {  	[tilespmem:s3+$0x20] =	vst v2  }
0x2d5: {  	s21 =	sadd.s32 $0x1, s21;
	[tilespmem:s3+$0xFFFFFFC0] =	vst v4  }
0x2d6: {  	[hbm4b:s23+s26] =	stream.strided.scatter [tilespmem:s1], [sflag:$0x4], $0x1000, s25, s26, $0x38;
	[tilespmem:$0x1EB00] =	vst v63  }
0x2d7: {  	p1 =	sne.s32 s21, s24;
	_ =	swait.ge [sflag:s0], $0x1000  }
.Ltmp16:
0x2d8: {  	[sflag:s0] =	ssyncset.done $0x0;
	(pc) =	sbr.rel @p1 .LBB2_1-.Ltmp16, $4  }
0x2d9: {  	[sflag:s0] =	ssyncadd.s32 $0xFFFFF000  }
0x2da: {  	_ =	swait.ge [sflag:s2], $0x1000  }
0x2db: {  	[sflag:s2] =	ssyncset.done $0x0  }
0x2dc: {  	[sflag:s2] =	ssyncadd.s32 $0xFFFFF000  }
0x2dd: {  	_ =	sfence.sel $0x180000  }
0x2de: {  	[bflag:$0x0] =	sbarrier.arrive $0xFFFF  }
0x2df: {  	_ =	strace $0x90000047  }
0x2e0: {  	[bflag:$0x2] =	sbarrier.arrive $0xFFFF  }
0x2e1: {  	s0 =	rddreg [dreg:$0x4]  }
0x2e2: {  	s0 =	sadd.s32 @!p0 $0x100000, s0  }
0x2e3: {  	[sflag:s0] =	ssyncadd.tile.s32 @!p0 $0x1;
	_ =	shalt  }
.Lfunc_end2:
_tile_overlayer_lowered:
.L_overlay_start_2:
0x2e4: {  	(tag) =	ssettag $0x2  }
0x2e5: {  	s0 =	rddreg [dreg:$0x0];
	s2 =	stileid.u32  }
0x2e6: {  	s1 =	rddreg [dreg:$0x1];
	p0 =	sne.s32 s2, $0x0  }
0x2e7: {  	s3 =	rddreg [dreg:$0x2];
	[bflag:$0x3] =	sbarrier.arrive $0xFFFF;
	s2 =	simm.s32 @!p0 $0x1C05  }
0x2e8: {  	[timem:s3], [sflag:s2] =	dma.local @!p0 [hbm:s0], s1  }
0x2e9: {  	s0 =	simm.s32 @!p0 $0x5  }
0x2ea: {  	_ =	swait.ge @!p0 [sflag:s0], s1  }
0x2eb: {  	s1 =	ssub.s32 @!p0 $0x0, s1;
	[sflag:s0] =	ssyncset.done @!p0 $0x0  }
0x2ec: {  	[sflag:s0] =	ssyncadd.s32 @!p0 s1  }
0x2ed: {  	[bflag:$0x3] =	sbarrier.arrive $0xFFFF  }
0x2ee: {  	_ =	shalt  }

</sc_bundles>
